<compile_context>
chip_gen: v7x
topology: tpu7x:2x2x1
jax: 0.10.2.dev20260603
libtpu: 0.0.44.dev20260713+nightly
codegen_flags: <defaults>
</compile_context>

<pallas_src>
import functools

import jax
import jax.numpy as jnp
from jax import lax
from jax.experimental import pallas as pl
from jax.experimental.pallas import tpu as pltpu
from jax.experimental.pallas import tpu_sc as plsc

_N = 50000
_E = 800000
_D = 64
_G = 64

_NC = 2
_NS = 16
_HALF = _N // _NC
_TRASH = _HALF
_ZSLICE = 1568
_SPM_ROWS = _NS * _ZSLICE
_LASTSLICE = _HALF - (_NS - 1) * _ZSLICE

_CHUNK = 128
_NCHUNK = _E // _CHUNK
_CPS = -(-_NCHUNK // _NS)

_PREC = lax.Precision.HIGHEST


def _dot(a, b):
    return lax.dot_general(a, b, (((1,), (0,)), ((), ())),
                           precision=_PREC, preferred_element_type=jnp.float32)



_BE = 2000


def _emlp_body(a_ref, w1_ref, b1_ref, w2_ref, b2_ref, o_ref):
    t = jnp.maximum(_dot(a_ref[...], w1_ref[...]) + b1_ref[...], 0.0)
    o_ref[...] = _dot(t, w2_ref[...]) + b2_ref[...]


def _edge_mlp(edge_attr, w1, b1, w2, b2):
    grid = _E // _BE
    return pl.pallas_call(
        _emlp_body,
        grid=(grid,),
        in_specs=[
            pl.BlockSpec((_BE, 16), lambda i: (i, 0)),
            pl.BlockSpec((16, _D), lambda i: (0, 0)),
            pl.BlockSpec((1, _D), lambda i: (0, 0)),
            pl.BlockSpec((_D, _D), lambda i: (0, 0)),
            pl.BlockSpec((1, _D), lambda i: (0, 0)),
        ],
        out_specs=pl.BlockSpec((_BE, _D), lambda i: (i, 0)),
        out_shape=jax.ShapeDtypeStruct((_E, _D), jnp.float32),
    )(edge_attr, w1, b1, w2, b2)


_BN = 2000


def _update_body(h_ref, a_ref, o_ref):
    o_ref[...] = jnp.maximum(h_ref[...] + a_ref[...], 0.0)


def _update(h, agg):
    grid = _N // _BN
    return pl.pallas_call(
        _update_body,
        grid=(grid,),
        in_specs=[
            pl.BlockSpec((_BN, _D), lambda i: (i, 0)),
            pl.BlockSpec((_BN, _D), lambda i: (i, 0)),
        ],
        out_specs=pl.BlockSpec((_BN, _D), lambda i: (i, 0)),
        out_shape=jax.ShapeDtypeStruct((_N, _D), jnp.float32),
    )(h, agg)


def _pool_body(h_ref, b_ref, wl_ref, bl_ref, o_ref, acc_ref):
    i = pl.program_id(0)

    @pl.when(i == 0)
    def _():
        acc_ref[...] = jnp.zeros_like(acc_ref)

    seg = b_ref[0]
    onehot = (lax.broadcasted_iota(jnp.int32, (_G, _BN), 0) == seg
              ).astype(jnp.float32)
    acc_ref[...] += _dot(onehot, h_ref[...])

    @pl.when(i == pl.num_programs(0) - 1)
    def _():
        o_ref[...] = _dot(acc_ref[...], wl_ref[...]) + bl_ref[...]


def _pool(h, batch3d, wl, bl):
    grid = _N // _BN
    return pl.pallas_call(
        _pool_body,
        grid=(grid,),
        in_specs=[
            pl.BlockSpec((_BN, _D), lambda i: (i, 0)),
            pl.BlockSpec((1, 1, _BN), lambda i: (i, 0, 0)),
            pl.BlockSpec((_D, 1), lambda i: (0, 0)),
            pl.BlockSpec((1, 1), lambda i: (0, 0)),
        ],
        out_specs=pl.BlockSpec((_G, 1), lambda i: (0, 0)),
        out_shape=jax.ShapeDtypeStruct((_G, 1), jnp.float32),
        scratch_shapes=[pltpu.VMEM((_G, _D), jnp.float32)],
    )(h, batch3d, wl, bl)



def _sc_body(h_hbm, src_hbm, dst_hbm, e_hbm, z_hbm, out_hbm,
             sidx, didx, rows, ev, accum, sem_g, sem_e):
    cid = lax.axis_index("c")
    sid = lax.axis_index("s")
    base_node = cid * _HALF

    zlo = sid * _ZSLICE
    pltpu.sync_copy(z_hbm.at[pl.ds(zlo, _ZSLICE)], accum.at[pl.ds(zlo, _ZSLICE)])
    plsc.subcore_barrier()

    @pl.loop(0, _CPS)
    def _(i):
        ck = sid * _CPS + i

        @pl.when(ck < _NCHUNK)
        def _():
            ebase = pl.multiple_of(ck * _CHUNK, _CHUNK)
            pltpu.sync_copy(src_hbm.at[pl.ds(ebase, _CHUNK)], sidx)
            pltpu.sync_copy(dst_hbm.at[pl.ds(ebase, _CHUNK)], didx.at[0])
            cg = pltpu.async_copy(h_hbm.at[sidx], rows, sem_g)
            ce = pltpu.async_copy(e_hbm.at[pl.ds(ebase, _CHUNK)], ev, sem_e)

            @pl.loop(0, _CHUNK // 16)
            def _(j):
                v = didx[0, pl.ds(j * 16, 16)]
                lo = v - base_node
                ok = (lo >= 0) & (lo < _HALF)
                didx[0, pl.ds(j * 16, 16)] = jnp.where(ok, lo, _TRASH)

            cg.wait()
            ce.wait()

            @pl.loop(0, _CHUNK)
            def _(r):
                for q in range(4):
                    sl = (r, pl.ds(q * 16, 16))
                    rows[sl] = jnp.maximum(rows[sl] + ev[sl], 0.0)

            pltpu.sync_copy(rows, accum.at[didx.at[0]], add=True)

    plsc.subcore_barrier()

    @pl.when(sid < _NS - 1)
    def _():
        pltpu.sync_copy(accum.at[pl.ds(sid * _ZSLICE, _ZSLICE)],
                        out_hbm.at[pl.ds(base_node + sid * _ZSLICE, _ZSLICE)])

    @pl.when(sid == _NS - 1)
    def _():
        pltpu.sync_copy(
            accum.at[pl.ds((_NS - 1) * _ZSLICE, _LASTSLICE)],
            out_hbm.at[pl.ds(base_node + (_NS - 1) * _ZSLICE, _LASTSLICE)])


@functools.cache
def _sc_pass_fn():
    mesh = plsc.VectorSubcoreMesh(core_axis_name="c", subcore_axis_name="s",
                                  num_cores=_NC, num_subcores=_NS)
    return pl.kernel(
        _sc_body,
        out_type=jax.ShapeDtypeStruct((_N, _D), jnp.float32),
        mesh=mesh,
        scratch_types=[
            pltpu.VMEM((_CHUNK,), jnp.int32),
            pltpu.VMEM((1, _CHUNK), jnp.int32),
            pltpu.VMEM((_CHUNK, _D), jnp.float32),
            pltpu.VMEM((_CHUNK, _D), jnp.float32),
            pltpu.VMEM_SHARED((_SPM_ROWS, _D), jnp.float32),
            pltpu.SemaphoreType.DMA,
            pltpu.SemaphoreType.DMA,
        ],
        compiler_params=pltpu.CompilerParams(use_tc_tiling_on_sc=False),
    )



def kernel(x, edge_index, edge_attr, batch,
           W1_0, b1_0, W2_0, b2_0,
           W1_1, b1_1, W2_1, b2_1,
           W1_2, b1_2, W2_2, b2_2,
           Wl, bl):
    src = edge_index[0]
    dst = edge_index[1]
    zeros = jnp.zeros((_SPM_ROWS, _D), jnp.float32)

    es = [
        _edge_mlp(edge_attr, W1_0, b1_0.reshape(1, -1), W2_0, b2_0.reshape(1, -1)),
        _edge_mlp(edge_attr, W1_1, b1_1.reshape(1, -1), W2_1, b2_1.reshape(1, -1)),
        _edge_mlp(edge_attr, W1_2, b1_2.reshape(1, -1), W2_2, b2_2.reshape(1, -1)),
    ]

    h = x
    for e in es:
        agg = _sc_pass_fn()(h, src, dst, e, zeros)
        h = _update(h, agg)

    out = _pool(h, batch.reshape(_N // _BN, 1, _BN), Wl, bl.reshape(1, 1))
    return jnp.squeeze(out, -1)

# --- scband reference (transcript-rebuilt; emitter-appended) ---
"""Pipeline reference for scband-ginenet-50096498540960 (READ-ONLY COPY).

The authoritative reference and input builder live on the scoring server;
editing this copy changes nothing except your own understanding.
"""

import jax, jax.numpy as jnp
import numpy as np

N = 50000
E = 800000
D = 64
ED = 16
H = 64
L = 3
G = 64


def setup_inputs(seed: int = 0) -> dict:
    key = jax.random.key(seed)
    ks = jax.random.split(key, 4 + 4 * L + 2)
    inp = {}
    inp['x'] = jax.random.normal(ks[0], (N, D), dtype=jnp.float32)
    inp['edge_index'] = jax.random.randint(ks[1], (2, E), 0, N)
    inp['edge_attr'] = jax.random.normal(ks[2], (E, ED), dtype=jnp.float32)
    inp['batch'] = jnp.sort(jax.random.randint(ks[3], (N,), 0, G))
    ki = 4
    for i in range(L):
        inp[f'W1_{i}'] = jax.random.normal(ks[ki], (ED, H), dtype=jnp.float32) * (1.0 / np.sqrt(ED)); ki += 1
        inp[f'b1_{i}'] = jnp.zeros((H,), dtype=jnp.float32); ki += 1
        inp[f'W2_{i}'] = jax.random.normal(ks[ki], (H, H), dtype=jnp.float32) * (1.0 / np.sqrt(H)); ki += 1
        inp[f'b2_{i}'] = jnp.zeros((H,), dtype=jnp.float32); ki += 1
    inp['Wl'] = jax.random.normal(ks[ki], (H, 1), dtype=jnp.float32) * (1.0 / np.sqrt(H))
    inp['bl'] = jnp.zeros((1,), dtype=jnp.float32)
    return inp


def _gine_conv(x, edge_index, edge_attr, W1, b1, W2, b2):
    # edge MLP: Linear -> ReLU -> Linear
    e = jnp.maximum(edge_attr @ W1 + b1, 0.0) @ W2 + b2  # [E, H]
    src = edge_index[0]
    dst = edge_index[1]
    m = jax.nn.relu(x[src] + e)  # message = ReLU(x_j + edge_emb)
    agg = jax.ops.segment_sum(m, dst, num_segments=N)
    # GINE update: (1 + eps) * x + aggregated, eps = 0
    return x + agg


def reference(x, edge_index, edge_attr, batch,
              W1_0, b1_0, W2_0, b2_0,
              W1_1, b1_1, W2_1, b2_1,
              W1_2, b1_2, W2_2, b2_2,
              Wl, bl):
    layer_params = [
        (W1_0, b1_0, W2_0, b2_0),
        (W1_1, b1_1, W2_1, b2_1),
        (W1_2, b1_2, W2_2, b2_2),
    ]
    h = x
    for (W1, b1, W2, b2) in layer_params:
        h = _gine_conv(h, edge_index, edge_attr, W1, b1, W2, b2)
        h = jax.nn.relu(h)
    pooled = jax.ops.segment_sum(h, batch, num_segments=G)  # global_add_pool
    out = pooled @ Wl + bl  # [G, 1]
    return out.squeeze()

if __name__ == "__main__":
    import jax
    _d = setup_inputs()
    print(jax.jit(kernel)(*tuple(_d.values())))

</pallas_src>

<mosaic_0001>
#map = affine_map<(d0, d1) -> (0, 0)>
#map1 = affine_map<(d0, d1) -> (0)>
module attributes {stable_mosaic.version = 14 : i64} {
  func.func @_sc_body(%arg0: i32, %arg1: i32, %arg2: memref<50000x64xf32, #tpu.memory_space<hbm>>, %arg3: memref<800000xi32, #tpu.memory_space<hbm>>, %arg4: memref<800000xi32, #tpu.memory_space<hbm>>, %arg5: memref<800000x64xf32, #tpu.memory_space<hbm>>, %arg6: memref<25088x64xf32, #tpu.memory_space<hbm>>, %arg7: memref<50000x64xf32, #tpu.memory_space<hbm>>, %arg8: memref<128xi32, #tpu.memory_space<vmem>>, %arg9: memref<1x128xi32, #tpu.memory_space<vmem>>, %arg10: memref<128x64xf32, #tpu.memory_space<vmem>>, %arg11: memref<128x64xf32, #tpu.memory_space<vmem>>, %arg12: memref<25088x64xf32, #tpu.memory_space<vmem_shared>>, %arg13: memref<!tpu.dma_semaphore, #tpu.memory_space<semaphore_mem>>, %arg14: memref<!tpu.dma_semaphore, #tpu.memory_space<semaphore_mem>>) attributes {dimension_semantics = [#tpu.dimension_semantics<core_parallel>, #tpu.dimension_semantics<subcore_parallel>], iteration_bounds = array<i64: 2, 16>, scalar_prefetch = 0 : i64, scratch_operands = 7 : i64, tpu.core_type = #tpu.core_type<sc_vector_subcore>, window_params = [{transform_indices = #map}, {transform_indices = #map1}, {transform_indices = #map1}, {transform_indices = #map}, {transform_indices = #map}, {transform_indices = #map}]} {
    %mul3A = arith.constant 25000 : i32
    %mul3A_0 = arith.muli %arg0, %mul3A : i32
    %mul3A_1 = arith.constant 1568 : i32
    %mul3A_2 = arith.muli %arg1, %mul3A_1 : i32
    "tpu.region"() ({
      %run_scoped3A = tpu.sem_alloc : memref<!tpu.dma_semaphore, #tpu.memory_space<semaphore_mem>>
      %dma_start3A = arith.constant 0 : i32
      %dma_start3A_14 = tpu.memref_slice %arg12[%mul3A_2, %dma_start3A] : memref<25088x64xf32, #tpu.memory_space<vmem_shared>> -> memref<1568x64xf32, #tpu.memory_space<vmem_shared>>
      %dma_start3A_15 = arith.constant 0 : i32
      %dma_start3A_16 = tpu.memref_slice %arg6[%mul3A_2, %dma_start3A_15] : memref<25088x64xf32, #tpu.memory_space<hbm>> -> memref<1568x64xf32, #tpu.memory_space<hbm>>
      tpu.enqueue_dma source(%dma_start3A_16 : memref<1568x64xf32, #tpu.memory_space<hbm>>) target(%dma_start3A_14 : memref<1568x64xf32, #tpu.memory_space<vmem_shared>>) target_semaphore(%run_scoped3A : memref<!tpu.dma_semaphore, #tpu.memory_space<semaphore_mem>>)
      %dma_wait3A = arith.constant 0 : i32
      %dma_wait3A_17 = tpu.memref_slice %arg12[%mul3A_2, %dma_wait3A] : memref<25088x64xf32, #tpu.memory_space<vmem_shared>> -> memref<1568x64xf32, #tpu.memory_space<vmem_shared>>
      %dma_wait3A_18 = arith.constant 0 : i32
      %dma_wait3A_19 = tpu.memref_slice %arg6[%mul3A_2, %dma_wait3A_18] : memref<25088x64xf32, #tpu.memory_space<hbm>> -> memref<1568x64xf32, #tpu.memory_space<hbm>>
      tpu.wait_dma2 semaphore(%run_scoped3A : memref<!tpu.dma_semaphore, #tpu.memory_space<semaphore_mem>>) src(%dma_wait3A_19 : memref<1568x64xf32, #tpu.memory_space<hbm>>) dst(%dma_wait3A_17 : memref<1568x64xf32, #tpu.memory_space<vmem_shared>>)
      tpu.yield
    }) : () -> ()
    %barrier3A = arith.constant 0 : index
    tpu.barrier barrier_id(%barrier3A)
    %scan3A = arith.constant 0 : i32
    %scan3A_3 = arith.constant 391 : i32
    %scan3A_4 = arith.addi %scan3A, %scan3A_3 : i32
    %scan3A_5 = arith.constant 1 : i32
    scf.for %scan3A_14 = %scan3A to %scan3A_4 step %scan3A_5  : i32 {
      %mul3A_15 = arith.constant 1 : i32
      %mul3A_16 = arith.muli %scan3A_14, %mul3A_15 : i32
      %add3A = arith.constant 0 : i32
      %add3A_17 = arith.addi %add3A, %mul3A_16 : i32
      %mul3A_18 = arith.constant 391 : i32
      %mul3A_19 = arith.muli %arg1, %mul3A_18 : i32
      %add3A_20 = arith.addi %mul3A_19, %add3A_17 : i32
      %lt3A_21 = arith.constant 6250 : i32
      %lt3A_22 = arith.cmpi slt, %add3A_20, %lt3A_21 : i32
      %convert_element_type3A_23 = arith.extui %lt3A_22 : i1 to i32
      %cond3A_24 = arith.constant 0 : i32
      %cond3A_25 = arith.cmpi ne, %convert_element_type3A_23, %cond3A_24 : i32
      scf.if %cond3A_25 {
        %mul3A_26 = arith.constant 128 : i32
        %mul3A_27 = arith.muli %add3A_20, %mul3A_26 : i32
        %multiple_of3A = tpu.assume_multiple %mul3A_27, 128 : i32
        "tpu.region"() ({
          %run_scoped3A_51 = tpu.sem_alloc : memref<!tpu.dma_semaphore, #tpu.memory_space<semaphore_mem>>
          %dma_start3A_52 = tpu.memref_slice %arg3[%multiple_of3A] : memref<800000xi32, #tpu.memory_space<hbm>> -> memref<128xi32, #tpu.memory_space<hbm>>
          %dma_start3A_53 = tpu.memref_slice %arg3[%multiple_of3A] : memref<800000xi32, #tpu.memory_space<hbm>> -> memref<128xi32, #tpu.memory_space<hbm>>
          tpu.enqueue_dma source(%dma_start3A_53 : memref<128xi32, #tpu.memory_space<hbm>>) target(%arg8 : memref<128xi32, #tpu.memory_space<vmem>>) target_semaphore(%run_scoped3A_51 : memref<!tpu.dma_semaphore, #tpu.memory_space<semaphore_mem>>)
          %dma_wait3A_54 = tpu.memref_slice %arg3[%multiple_of3A] : memref<800000xi32, #tpu.memory_space<hbm>> -> memref<128xi32, #tpu.memory_space<hbm>>
          %dma_wait3A_55 = tpu.memref_slice %arg3[%multiple_of3A] : memref<800000xi32, #tpu.memory_space<hbm>> -> memref<128xi32, #tpu.memory_space<hbm>>
          tpu.wait_dma2 semaphore(%run_scoped3A_51 : memref<!tpu.dma_semaphore, #tpu.memory_space<semaphore_mem>>) src(%dma_wait3A_55 : memref<128xi32, #tpu.memory_space<hbm>>) dst(%arg8 : memref<128xi32, #tpu.memory_space<vmem>>)
          tpu.yield
        }) : () -> ()
        %run_scoped3A = arith.constant 0 : i32
        "tpu.region"() ({
          %run_scoped3A_51 = tpu.sem_alloc : memref<!tpu.dma_semaphore, #tpu.memory_space<semaphore_mem>>
          %dma_start3A_52 = arith.constant 0 : i32
          %dma_start3A_53 = tpu.memref_slice %arg9[%run_scoped3A, %dma_start3A_52] : memref<1x128xi32, #tpu.memory_space<vmem>> -> memref<1x128xi32, #tpu.memory_space<vmem>>
          %dma_start3A_54 = tpu.memref_squeeze %dma_start3A_53 : memref<1x128xi32, #tpu.memory_space<vmem>> -> memref<128xi32, #tpu.memory_space<vmem>>
          %dma_start3A_55 = tpu.memref_slice %arg4[%multiple_of3A] : memref<800000xi32, #tpu.memory_space<hbm>> -> memref<128xi32, #tpu.memory_space<hbm>>
          %dma_start3A_56 = arith.constant 0 : i32
          %dma_start3A_57 = tpu.memref_slice %arg9[%run_scoped3A, %dma_start3A_56] : memref<1x128xi32, #tpu.memory_space<vmem>> -> memref<1x128xi32, #tpu.memory_space<vmem>>
          %dma_start3A_58 = tpu.memref_squeeze %dma_start3A_57 : memref<1x128xi32, #tpu.memory_space<vmem>> -> memref<128xi32, #tpu.memory_space<vmem>>
          %dma_start3A_59 = tpu.memref_slice %arg4[%multiple_of3A] : memref<800000xi32, #tpu.memory_space<hbm>> -> memref<128xi32, #tpu.memory_space<hbm>>
          tpu.enqueue_dma source(%dma_start3A_59 : memref<128xi32, #tpu.memory_space<hbm>>) target(%dma_start3A_58 : memref<128xi32, #tpu.memory_space<vmem>>) target_semaphore(%run_scoped3A_51 : memref<!tpu.dma_semaphore, #tpu.memory_space<semaphore_mem>>)
          %dma_wait3A_60 = arith.constant 0 : i32
          %dma_wait3A_61 = tpu.memref_slice %arg9[%run_scoped3A, %dma_wait3A_60] : memref<1x128xi32, #tpu.memory_space<vmem>> -> memref<1x128xi32, #tpu.memory_space<vmem>>
          %dma_wait3A_62 = tpu.memref_squeeze %dma_wait3A_61 : memref<1x128xi32, #tpu.memory_space<vmem>> -> memref<128xi32, #tpu.memory_space<vmem>>
          %dma_wait3A_63 = tpu.memref_slice %arg4[%multiple_of3A] : memref<800000xi32, #tpu.memory_space<hbm>> -> memref<128xi32, #tpu.memory_space<hbm>>
          %dma_wait3A_64 = arith.constant 0 : i32
          %dma_wait3A_65 = tpu.memref_slice %arg9[%run_scoped3A, %dma_wait3A_64] : memref<1x128xi32, #tpu.memory_space<vmem>> -> memref<1x128xi32, #tpu.memory_space<vmem>>
          %dma_wait3A_66 = tpu.memref_squeeze %dma_wait3A_65 : memref<1x128xi32, #tpu.memory_space<vmem>> -> memref<128xi32, #tpu.memory_space<vmem>>
          %dma_wait3A_67 = tpu.memref_slice %arg4[%multiple_of3A] : memref<800000xi32, #tpu.memory_space<hbm>> -> memref<128xi32, #tpu.memory_space<hbm>>
          tpu.wait_dma2 semaphore(%run_scoped3A_51 : memref<!tpu.dma_semaphore, #tpu.memory_space<semaphore_mem>>) src(%dma_wait3A_67 : memref<128xi32, #tpu.memory_space<hbm>>) dst(%dma_wait3A_66 : memref<128xi32, #tpu.memory_space<vmem>>)
          tpu.yield
        }) : () -> ()
        %dma_start3A = arith.constant 0 : i32
        %dma_start3A_28 = arith.constant 0 : i32
        %dma_start3A_29 = tpu.memref_slice %arg2[%dma_start3A, %dma_start3A_28] : memref<50000x64xf32, #tpu.memory_space<hbm>> -> memref<50000x64xf32, #tpu.memory_space<hbm>>
        tpu.enqueue_indirect_dma source(%dma_start3A_29 : memref<50000x64xf32, #tpu.memory_space<hbm>>) target(%arg10 : memref<128x64xf32, #tpu.memory_space<vmem>>) offsets(%arg8 : memref<128xi32, #tpu.memory_space<vmem>>) semaphore(%arg13 : memref<!tpu.dma_semaphore, #tpu.memory_space<semaphore_mem>>)
        %dma_start3A_30 = arith.constant 0 : i32
        %dma_start3A_31 = tpu.memref_slice %arg5[%multiple_of3A, %dma_start3A_30] : memref<800000x64xf32, #tpu.memory_space<hbm>> -> memref<128x64xf32, #tpu.memory_space<hbm>>
        %dma_start3A_32 = arith.constant 0 : i32
        %dma_start3A_33 = tpu.memref_slice %arg5[%multiple_of3A, %dma_start3A_32] : memref<800000x64xf32, #tpu.memory_space<hbm>> -> memref<128x64xf32, #tpu.memory_space<hbm>>
        tpu.enqueue_dma source(%dma_start3A_33 : memref<128x64xf32, #tpu.memory_space<hbm>>) target(%arg11 : memref<128x64xf32, #tpu.memory_space<vmem>>) target_semaphore(%arg14 : memref<!tpu.dma_semaphore, #tpu.memory_space<semaphore_mem>>)
        %scan3A_34 = arith.constant 0 : i32
        %scan3A_35 = arith.constant 8 : i32
        %scan3A_36 = arith.addi %scan3A_34, %scan3A_35 : i32
        %scan3A_37 = arith.constant 1 : i32
        scf.for %scan3A_51 = %scan3A_34 to %scan3A_36 step %scan3A_37  : i32 {
          %mul3A_52 = arith.constant 1 : i32
          %mul3A_53 = arith.muli %scan3A_51, %mul3A_52 : i32
          %add3A_54 = arith.constant 0 : i32
          %add3A_55 = arith.addi %add3A_54, %mul3A_53 : i32
          %mul3A_56 = arith.constant 16 : i32
          %mul3A_57 = arith.muli %add3A_55, %mul3A_56 : i32
          %get3A = arith.constant 0 : i32
          %get3A_58 = arith.index_cast %get3A : i32 to index
          %get3A_59 = arith.index_cast %mul3A_57 : i32 to index
          %get3A_60 = tpu.vector_load %arg9[%get3A_58, %get3A_59] {strides = array<i32>} : memref<1x128xi32, #tpu.memory_space<vmem>>, vector<1x16xi32>,
          %get3A_61 = vector.shape_cast %get3A_60 : vector<1x16xi32> to vector<16xi32>
          %sub3A = vector.broadcast %mul3A_0 : i32 to vector<16xi32>
          %sub3A_62 = arith.subi %get3A_61, %sub3A : vector<16xi32>
          %ge3A = arith.constant 0 : i32
          %ge3A_63 = vector.broadcast %ge3A : i32 to vector<16xi32>
          %ge3A_64 = arith.cmpi sge, %sub3A_62, %ge3A_63 : vector<16xi32>
          %lt3A_65 = arith.constant 25000 : i32
          %lt3A_66 = vector.broadcast %lt3A_65 : i32 to vector<16xi32>
          %lt3A_67 = arith.cmpi slt, %sub3A_62, %lt3A_66 : vector<16xi32>
          %and3A = arith.andi %ge3A_64, %lt3A_67 : vector<16xi1>
          %jit3A = arith.constant 25000 : i32
          %broadcast_in_dim3A = vector.broadcast %jit3A : i32 to vector<16xi32>
          %select_n3A = arith.select %and3A, %sub3A_62, %broadcast_in_dim3A : vector<16xi1>, vector<16xi32>
          %mul3A_68 = arith.constant 16 : i32
          %mul3A_69 = arith.muli %add3A_55, %mul3A_68 : i32
          %swap3A = arith.constant 0 : i32
          %swap3A_70 = arith.index_cast %swap3A : i32 to index
          %swap3A_71 = arith.index_cast %mul3A_69 : i32 to index
          %swap3A_72 = tpu.vector_load %arg9[%swap3A_70, %swap3A_71] {strides = array<i32>} : memref<1x128xi32, #tpu.memory_space<vmem>>, vector<1x16xi32>,
          %swap3A_73 = vector.shape_cast %swap3A_72 : vector<1x16xi32> to vector<16xi32>
          %swap3A_74 = vector.shape_cast %select_n3A : vector<16xi32> to vector<1x16xi32>
          tpu.vector_store %arg9[%swap3A_70, %swap3A_71], %swap3A_74 {strides = array<i32>} : memref<1x128xi32, #tpu.memory_space<vmem>>, vector<1x16xi32>,
        }
        %scan3A_38 = arith.constant 8 : i32
        %dma_wait3A = arith.constant 0 : i32
        %dma_wait3A_39 = arith.constant 0 : i32
        %dma_wait3A_40 = tpu.memref_slice %arg2[%dma_wait3A, %dma_wait3A_39] : memref<50000x64xf32, #tpu.memory_space<hbm>> -> memref<50000x64xf32, #tpu.memory_space<hbm>>
        tpu.wait_indirect_dma semaphore(%arg13 : memref<!tpu.dma_semaphore, #tpu.memory_space<semaphore_mem>>) src(%dma_wait3A_40 : memref<50000x64xf32, #tpu.memory_space<hbm>>) dst(%arg10 : memref<128x64xf32, #tpu.memory_space<vmem>>)
        %dma_wait3A_41 = arith.constant 0 : i32
        %dma_wait3A_42 = tpu.memref_slice %arg5[%multiple_of3A, %dma_wait3A_41] : memref<800000x64xf32, #tpu.memory_space<hbm>> -> memref<128x64xf32, #tpu.memory_space<hbm>>
        %dma_wait3A_43 = arith.constant 0 : i32
        %dma_wait3A_44 = tpu.memref_slice %arg5[%multiple_of3A, %dma_wait3A_43] : memref<800000x64xf32, #tpu.memory_space<hbm>> -> memref<128x64xf32, #tpu.memory_space<hbm>>
        tpu.wait_dma2 semaphore(%arg14 : memref<!tpu.dma_semaphore, #tpu.memory_space<semaphore_mem>>) src(%dma_wait3A_44 : memref<128x64xf32, #tpu.memory_space<hbm>>) dst(%arg11 : memref<128x64xf32, #tpu.memory_space<vmem>>)
        %scan3A_45 = arith.constant 0 : i32
        %scan3A_46 = arith.constant 128 : i32
        %scan3A_47 = arith.addi %scan3A_45, %scan3A_46 : i32
        %scan3A_48 = arith.constant 1 : i32
        scf.for %scan3A_51 = %scan3A_45 to %scan3A_47 step %scan3A_48  : i32 {
          %mul3A_52 = arith.constant 1 : i32
          %mul3A_53 = arith.muli %scan3A_51, %mul3A_52 : i32
          %add3A_54 = arith.constant 0 : i32
          %add3A_55 = arith.addi %add3A_54, %mul3A_53 : i32
          %get3A = arith.index_cast %add3A_55 : i32 to index
          %get3A_56 = arith.constant 0 : index
          %get3A_57 = tpu.vector_load %arg10[%get3A, %get3A_56] {strides = array<i32>} : memref<128x64xf32, #tpu.memory_space<vmem>>, vector<1x16xf32>,
          %get3A_58 = vector.shape_cast %get3A_57 : vector<1x16xf32> to vector<16xf32>
          %get3A_59 = arith.index_cast %add3A_55 : i32 to index
          %get3A_60 = arith.constant 0 : index
          %get3A_61 = tpu.vector_load %arg11[%get3A_59, %get3A_60] {strides = array<i32>} : memref<128x64xf32, #tpu.memory_space<vmem>>, vector<1x16xf32>,
          %get3A_62 = vector.shape_cast %get3A_61 : vector<1x16xf32> to vector<16xf32>
          %add3A_63 = arith.addf %get3A_58, %get3A_62 : vector<16xf32>
          %max3A = arith.constant 0.000000e+00 : f32
          %max3A_64 = vector.broadcast %max3A : f32 to vector<16xf32>
          %max3A_65 = arith.maximumf %add3A_63, %max3A_64 : vector<16xf32>
          %swap3A = arith.index_cast %add3A_55 : i32 to index
          %swap3A_66 = arith.constant 0 : index
          %swap3A_67 = tpu.vector_load %arg10[%swap3A, %swap3A_66] {strides = array<i32>} : memref<128x64xf32, #tpu.memory_space<vmem>>, vector<1x16xf32>,
          %swap3A_68 = vector.shape_cast %swap3A_67 : vector<1x16xf32> to vector<16xf32>
          %swap3A_69 = vector.shape_cast %max3A_65 : vector<16xf32> to vector<1x16xf32>
          tpu.vector_store %arg10[%swap3A, %swap3A_66], %swap3A_69 {strides = array<i32>} : memref<128x64xf32, #tpu.memory_space<vmem>>, vector<1x16xf32>,
          %get3A_70 = arith.index_cast %add3A_55 : i32 to index
          %get3A_71 = arith.constant 16 : index
          %get3A_72 = tpu.vector_load %arg10[%get3A_70, %get3A_71] {strides = array<i32>} : memref<128x64xf32, #tpu.memory_space<vmem>>, vector<1x16xf32>,
          %get3A_73 = vector.shape_cast %get3A_72 : vector<1x16xf32> to vector<16xf32>
          %get3A_74 = arith.index_cast %add3A_55 : i32 to index
          %get3A_75 = arith.constant 16 : index
          %get3A_76 = tpu.vector_load %arg11[%get3A_74, %get3A_75] {strides = array<i32>} : memref<128x64xf32, #tpu.memory_space<vmem>>, vector<1x16xf32>,
          %get3A_77 = vector.shape_cast %get3A_76 : vector<1x16xf32> to vector<16xf32>
          %add3A_78 = arith.addf %get3A_73, %get3A_77 : vector<16xf32>
          %max3A_79 = arith.constant 0.000000e+00 : f32
          %max3A_80 = vector.broadcast %max3A_79 : f32 to vector<16xf32>
          %max3A_81 = arith.maximumf %add3A_78, %max3A_80 : vector<16xf32>
          %swap3A_82 = arith.index_cast %add3A_55 : i32 to index
          %swap3A_83 = arith.constant 16 : index
          %swap3A_84 = tpu.vector_load %arg10[%swap3A_82, %swap3A_83] {strides = array<i32>} : memref<128x64xf32, #tpu.memory_space<vmem>>, vector<1x16xf32>,
          %swap3A_85 = vector.shape_cast %swap3A_84 : vector<1x16xf32> to vector<16xf32>
          %swap3A_86 = vector.shape_cast %max3A_81 : vector<16xf32> to vector<1x16xf32>
          tpu.vector_store %arg10[%swap3A_82, %swap3A_83], %swap3A_86 {strides = array<i32>} : memref<128x64xf32, #tpu.memory_space<vmem>>, vector<1x16xf32>,
          %get3A_87 = arith.index_cast %add3A_55 : i32 to index
          %get3A_88 = arith.constant 32 : index
          %get3A_89 = tpu.vector_load %arg10[%get3A_87, %get3A_88] {strides = array<i32>} : memref<128x64xf32, #tpu.memory_space<vmem>>, vector<1x16xf32>,
          %get3A_90 = vector.shape_cast %get3A_89 : vector<1x16xf32> to vector<16xf32>
          %get3A_91 = arith.index_cast %add3A_55 : i32 to index
          %get3A_92 = arith.constant 32 : index
          %get3A_93 = tpu.vector_load %arg11[%get3A_91, %get3A_92] {strides = array<i32>} : memref<128x64xf32, #tpu.memory_space<vmem>>, vector<1x16xf32>,
          %get3A_94 = vector.shape_cast %get3A_93 : vector<1x16xf32> to vector<16xf32>
          %add3A_95 = arith.addf %get3A_90, %get3A_94 : vector<16xf32>
          %max3A_96 = arith.constant 0.000000e+00 : f32
          %max3A_97 = vector.broadcast %max3A_96 : f32 to vector<16xf32>
          %max3A_98 = arith.maximumf %add3A_95, %max3A_97 : vector<16xf32>
          %swap3A_99 = arith.index_cast %add3A_55 : i32 to index
          %swap3A_100 = arith.constant 32 : index
          %swap3A_101 = tpu.vector_load %arg10[%swap3A_99, %swap3A_100] {strides = array<i32>} : memref<128x64xf32, #tpu.memory_space<vmem>>, vector<1x16xf32>,
          %swap3A_102 = vector.shape_cast %swap3A_101 : vector<1x16xf32> to vector<16xf32>
          %swap3A_103 = vector.shape_cast %max3A_98 : vector<16xf32> to vector<1x16xf32>
          tpu.vector_store %arg10[%swap3A_99, %swap3A_100], %swap3A_103 {strides = array<i32>} : memref<128x64xf32, #tpu.memory_space<vmem>>, vector<1x16xf32>,
          %get3A_104 = arith.index_cast %add3A_55 : i32 to index
          %get3A_105 = arith.constant 48 : index
          %get3A_106 = tpu.vector_load %arg10[%get3A_104, %get3A_105] {strides = array<i32>} : memref<128x64xf32, #tpu.memory_space<vmem>>, vector<1x16xf32>,
          %get3A_107 = vector.shape_cast %get3A_106 : vector<1x16xf32> to vector<16xf32>
          %get3A_108 = arith.index_cast %add3A_55 : i32 to index
          %get3A_109 = arith.constant 48 : index
          %get3A_110 = tpu.vector_load %arg11[%get3A_108, %get3A_109] {strides = array<i32>} : memref<128x64xf32, #tpu.memory_space<vmem>>, vector<1x16xf32>,
          %get3A_111 = vector.shape_cast %get3A_110 : vector<1x16xf32> to vector<16xf32>
          %add3A_112 = arith.addf %get3A_107, %get3A_111 : vector<16xf32>
          %max3A_113 = arith.constant 0.000000e+00 : f32
          %max3A_114 = vector.broadcast %max3A_113 : f32 to vector<16xf32>
          %max3A_115 = arith.maximumf %add3A_112, %max3A_114 : vector<16xf32>
          %swap3A_116 = arith.index_cast %add3A_55 : i32 to index
          %swap3A_117 = arith.constant 48 : index
          %swap3A_118 = tpu.vector_load %arg10[%swap3A_116, %swap3A_117] {strides = array<i32>} : memref<128x64xf32, #tpu.memory_space<vmem>>, vector<1x16xf32>,
          %swap3A_119 = vector.shape_cast %swap3A_118 : vector<1x16xf32> to vector<16xf32>
          %swap3A_120 = vector.shape_cast %max3A_115 : vector<16xf32> to vector<1x16xf32>
          tpu.vector_store %arg10[%swap3A_116, %swap3A_117], %swap3A_120 {strides = array<i32>} : memref<128x64xf32, #tpu.memory_space<vmem>>, vector<1x16xf32>,
        }
        %scan3A_49 = arith.constant 128 : i32
        %run_scoped3A_50 = arith.constant 0 : i32
        "tpu.region"() ({
          %run_scoped3A_51 = tpu.sem_alloc : memref<!tpu.dma_semaphore, #tpu.memory_space<semaphore_mem>>
          %dma_start3A_52 = arith.constant 0 : i32
          %dma_start3A_53 = tpu.memref_slice %arg9[%run_scoped3A_50, %dma_start3A_52] : memref<1x128xi32, #tpu.memory_space<vmem>> -> memref<1x128xi32, #tpu.memory_space<vmem>>
          %dma_start3A_54 = tpu.memref_squeeze %dma_start3A_53 : memref<1x128xi32, #tpu.memory_space<vmem>> -> memref<128xi32, #tpu.memory_space<vmem>>
          %dma_start3A_55 = arith.constant 0 : i32
          %dma_start3A_56 = arith.constant 0 : i32
          %dma_start3A_57 = tpu.memref_slice %arg12[%dma_start3A_55, %dma_start3A_56] : memref<25088x64xf32, #tpu.memory_space<vmem_shared>> -> memref<25088x64xf32, #tpu.memory_space<vmem_shared>>
          tpu.enqueue_indirect_dma source(%arg10 : memref<128x64xf32, #tpu.memory_space<vmem>>) target(%dma_start3A_57 : memref<25088x64xf32, #tpu.memory_space<vmem_shared>>) offsets(%dma_start3A_54 : memref<128xi32, #tpu.memory_space<vmem>>) semaphore(%run_scoped3A_51 : memref<!tpu.dma_semaphore, #tpu.memory_space<semaphore_mem>>) {add = true}
          %dma_wait3A_58 = arith.constant 0 : i32
          %dma_wait3A_59 = tpu.memref_slice %arg9[%run_scoped3A_50, %dma_wait3A_58] : memref<1x128xi32, #tpu.memory_space<vmem>> -> memref<1x128xi32, #tpu.memory_space<vmem>>
          %dma_wait3A_60 = tpu.memref_squeeze %dma_wait3A_59 : memref<1x128xi32, #tpu.memory_space<vmem>> -> memref<128xi32, #tpu.memory_space<vmem>>
          %dma_wait3A_61 = arith.constant 0 : i32
          %dma_wait3A_62 = arith.constant 0 : i32
          %dma_wait3A_63 = tpu.memref_slice %arg12[%dma_wait3A_61, %dma_wait3A_62] : memref<25088x64xf32, #tpu.memory_space<vmem_shared>> -> memref<25088x64xf32, #tpu.memory_space<vmem_shared>>
          tpu.wait_indirect_dma semaphore(%run_scoped3A_51 : memref<!tpu.dma_semaphore, #tpu.memory_space<semaphore_mem>>) src(%arg10 : memref<128x64xf32, #tpu.memory_space<vmem>>) dst(%dma_wait3A_63 : memref<25088x64xf32, #tpu.memory_space<vmem_shared>>)
          tpu.yield
        }) : () -> ()
      } else {
      }
    }
    %scan3A_6 = arith.constant 391 : i32
    %barrier3A_7 = arith.constant 0 : index
    tpu.barrier barrier_id(%barrier3A_7)
    %lt3A = arith.constant 15 : i32
    %lt3A_8 = arith.cmpi slt, %arg1, %lt3A : i32
    %convert_element_type3A = arith.extui %lt3A_8 : i1 to i32
    %cond3A = arith.constant 0 : i32
    %cond3A_9 = arith.cmpi ne, %convert_element_type3A, %cond3A : i32
    scf.if %cond3A_9 {
      %mul3A_14 = arith.constant 1568 : i32
      %mul3A_15 = arith.muli %arg1, %mul3A_14 : i32
      %mul3A_16 = arith.constant 1568 : i32
      %mul3A_17 = arith.muli %arg1, %mul3A_16 : i32
      %add3A = arith.addi %mul3A_0, %mul3A_17 : i32
      "tpu.region"() ({
        %run_scoped3A = tpu.sem_alloc : memref<!tpu.dma_semaphore, #tpu.memory_space<semaphore_mem>>
        %dma_start3A = arith.constant 0 : i32
        %dma_start3A_18 = tpu.memref_slice %arg7[%add3A, %dma_start3A] : memref<50000x64xf32, #tpu.memory_space<hbm>> -> memref<1568x64xf32, #tpu.memory_space<hbm>>
        %dma_start3A_19 = arith.constant 0 : i32
        %dma_start3A_20 = tpu.memref_slice %arg12[%mul3A_15, %dma_start3A_19] : memref<25088x64xf32, #tpu.memory_space<vmem_shared>> -> memref<1568x64xf32, #tpu.memory_space<vmem_shared>>
        tpu.enqueue_dma source(%dma_start3A_20 : memref<1568x64xf32, #tpu.memory_space<vmem_shared>>) target(%dma_start3A_18 : memref<1568x64xf32, #tpu.memory_space<hbm>>) target_semaphore(%run_scoped3A : memref<!tpu.dma_semaphore, #tpu.memory_space<semaphore_mem>>)
        %dma_wait3A = arith.constant 0 : i32
        %dma_wait3A_21 = tpu.memref_slice %arg7[%add3A, %dma_wait3A] : memref<50000x64xf32, #tpu.memory_space<hbm>> -> memref<1568x64xf32, #tpu.memory_space<hbm>>
        %dma_wait3A_22 = arith.constant 0 : i32
        %dma_wait3A_23 = tpu.memref_slice %arg12[%mul3A_15, %dma_wait3A_22] : memref<25088x64xf32, #tpu.memory_space<vmem_shared>> -> memref<1568x64xf32, #tpu.memory_space<vmem_shared>>
        tpu.wait_dma2 semaphore(%run_scoped3A : memref<!tpu.dma_semaphore, #tpu.memory_space<semaphore_mem>>) src(%dma_wait3A_23 : memref<1568x64xf32, #tpu.memory_space<vmem_shared>>) dst(%dma_wait3A_21 : memref<1568x64xf32, #tpu.memory_space<hbm>>)
        tpu.yield
      }) : () -> ()
    } else {
    }
    %eq3A = arith.constant 15 : i32
    %eq3A_10 = arith.cmpi eq, %arg1, %eq3A : i32
    %convert_element_type3A_11 = arith.extui %eq3A_10 : i1 to i32
    %cond3A_12 = arith.constant 0 : i32
    %cond3A_13 = arith.cmpi ne, %convert_element_type3A_11, %cond3A_12 : i32
    scf.if %cond3A_13 {
      %add3A = arith.constant 23520 : i32
      %add3A_14 = arith.addi %mul3A_0, %add3A : i32
      "tpu.region"() ({
        %run_scoped3A = tpu.sem_alloc : memref<!tpu.dma_semaphore, #tpu.memory_space<semaphore_mem>>
        %dma_start3A = arith.constant 0 : i32
        %dma_start3A_15 = tpu.memref_slice %arg7[%add3A_14, %dma_start3A] : memref<50000x64xf32, #tpu.memory_space<hbm>> -> memref<1480x64xf32, #tpu.memory_space<hbm>>
        %dma_start3A_16 = arith.constant 23520 : i32
        %dma_start3A_17 = arith.constant 0 : i32
        %dma_start3A_18 = tpu.memref_slice %arg12[%dma_start3A_16, %dma_start3A_17] : memref<25088x64xf32, #tpu.memory_space<vmem_shared>> -> memref<1480x64xf32, #tpu.memory_space<vmem_shared>>
        tpu.enqueue_dma source(%dma_start3A_18 : memref<1480x64xf32, #tpu.memory_space<vmem_shared>>) target(%dma_start3A_15 : memref<1480x64xf32, #tpu.memory_space<hbm>>) target_semaphore(%run_scoped3A : memref<!tpu.dma_semaphore, #tpu.memory_space<semaphore_mem>>)
        %dma_wait3A = arith.constant 0 : i32
        %dma_wait3A_19 = tpu.memref_slice %arg7[%add3A_14, %dma_wait3A] : memref<50000x64xf32, #tpu.memory_space<hbm>> -> memref<1480x64xf32, #tpu.memory_space<hbm>>
        %dma_wait3A_20 = arith.constant 23520 : i32
        %dma_wait3A_21 = arith.constant 0 : i32
        %dma_wait3A_22 = tpu.memref_slice %arg12[%dma_wait3A_20, %dma_wait3A_21] : memref<25088x64xf32, #tpu.memory_space<vmem_shared>> -> memref<1480x64xf32, #tpu.memory_space<vmem_shared>>
        tpu.wait_dma2 semaphore(%run_scoped3A : memref<!tpu.dma_semaphore, #tpu.memory_space<semaphore_mem>>) src(%dma_wait3A_22 : memref<1480x64xf32, #tpu.memory_space<vmem_shared>>) dst(%dma_wait3A_19 : memref<1480x64xf32, #tpu.memory_space<hbm>>)
        tpu.yield
      }) : () -> ()
    } else {
    }
    return
  }
}

#map = affine_map<(d0, d1) -> (0, 0)>
#map1 = affine_map<(d0, d1) -> (0)>
module attributes {stable_mosaic.version = 14 : i64} {
  func.func @_sc_body(%arg0: i32, %arg1: i32, %arg2: memref<50000x64xf32, #tpu.memory_space<hbm>>, %arg3: memref<800000xi32, #tpu.memory_space<hbm>>, %arg4: memref<800000xi32, #tpu.memory_space<hbm>>, %arg5: memref<800000x64xf32, #tpu.memory_space<hbm>>, %arg6: memref<25088x64xf32, #tpu.memory_space<hbm>>, %arg7: memref<50000x64xf32, #tpu.memory_space<hbm>>, %arg8: memref<128xi32, #tpu.memory_space<vmem>>, %arg9: memref<1x128xi32, #tpu.memory_space<vmem>>, %arg10: memref<128x64xf32, #tpu.memory_space<vmem>>, %arg11: memref<128x64xf32, #tpu.memory_space<vmem>>, %arg12: memref<25088x64xf32, #tpu.memory_space<vmem_shared>>, %arg13: memref<!tpu.dma_semaphore, #tpu.memory_space<semaphore_mem>>, %arg14: memref<!tpu.dma_semaphore, #tpu.memory_space<semaphore_mem>>) attributes {dimension_semantics = [#tpu.dimension_semantics<core_parallel>, #tpu.dimension_semantics<subcore_parallel>], iteration_bounds = array<i64: 2, 16>, scalar_prefetch = 0 : i64, scratch_operands = 7 : i64, tpu.core_type = #tpu.core_type<sc_vector_subcore>, window_params = [{transform_indices = #map}, {transform_indices = #map1}, {transform_indices = #map1}, {transform_indices = #map}, {transform_indices = #map}, {transform_indices = #map}]} {
    %mul3A = arith.constant 25000 : i32
    %mul3A_0 = arith.muli %arg0, %mul3A : i32
    %mul3A_1 = arith.constant 1568 : i32
    %mul3A_2 = arith.muli %arg1, %mul3A_1 : i32
    "tpu.region"() ({
      %run_scoped3A = tpu.sem_alloc : memref<!tpu.dma_semaphore, #tpu.memory_space<semaphore_mem>>
      %dma_start3A = arith.constant 0 : i32
      %dma_start3A_14 = tpu.memref_slice %arg12[%mul3A_2, %dma_start3A] : memref<25088x64xf32, #tpu.memory_space<vmem_shared>> -> memref<1568x64xf32, #tpu.memory_space<vmem_shared>>
      %dma_start3A_15 = arith.constant 0 : i32
      %dma_start3A_16 = tpu.memref_slice %arg6[%mul3A_2, %dma_start3A_15] : memref<25088x64xf32, #tpu.memory_space<hbm>> -> memref<1568x64xf32, #tpu.memory_space<hbm>>
      tpu.enqueue_dma source(%dma_start3A_16 : memref<1568x64xf32, #tpu.memory_space<hbm>>) target(%dma_start3A_14 : memref<1568x64xf32, #tpu.memory_space<vmem_shared>>) target_semaphore(%run_scoped3A : memref<!tpu.dma_semaphore, #tpu.memory_space<semaphore_mem>>)
      %dma_wait3A = arith.constant 0 : i32
      %dma_wait3A_17 = tpu.memref_slice %arg12[%mul3A_2, %dma_wait3A] : memref<25088x64xf32, #tpu.memory_space<vmem_shared>> -> memref<1568x64xf32, #tpu.memory_space<vmem_shared>>
      %dma_wait3A_18 = arith.constant 0 : i32
      %dma_wait3A_19 = tpu.memref_slice %arg6[%mul3A_2, %dma_wait3A_18] : memref<25088x64xf32, #tpu.memory_space<hbm>> -> memref<1568x64xf32, #tpu.memory_space<hbm>>
      tpu.wait_dma2 semaphore(%run_scoped3A : memref<!tpu.dma_semaphore, #tpu.memory_space<semaphore_mem>>) src(%dma_wait3A_19 : memref<1568x64xf32, #tpu.memory_space<hbm>>) dst(%dma_wait3A_17 : memref<1568x64xf32, #tpu.memory_space<vmem_shared>>)
      tpu.yield
    }) : () -> ()
    %barrier3A = arith.constant 0 : index
    tpu.barrier barrier_id(%barrier3A)
    %scan3A = arith.constant 0 : i32
    %scan3A_3 = arith.constant 391 : i32
    %scan3A_4 = arith.addi %scan3A, %scan3A_3 : i32
    %scan3A_5 = arith.constant 1 : i32
    scf.for %scan3A_14 = %scan3A to %scan3A_4 step %scan3A_5  : i32 {
      %mul3A_15 = arith.constant 1 : i32
      %mul3A_16 = arith.muli %scan3A_14, %mul3A_15 : i32
      %add3A = arith.constant 0 : i32
      %add3A_17 = arith.addi %add3A, %mul3A_16 : i32
      %mul3A_18 = arith.constant 391 : i32
      %mul3A_19 = arith.muli %arg1, %mul3A_18 : i32
      %add3A_20 = arith.addi %mul3A_19, %add3A_17 : i32
      %lt3A_21 = arith.constant 6250 : i32
      %lt3A_22 = arith.cmpi slt, %add3A_20, %lt3A_21 : i32
      %convert_element_type3A_23 = arith.extui %lt3A_22 : i1 to i32
      %cond3A_24 = arith.constant 0 : i32
      %cond3A_25 = arith.cmpi ne, %convert_element_type3A_23, %cond3A_24 : i32
      scf.if %cond3A_25 {
        %mul3A_26 = arith.constant 128 : i32
        %mul3A_27 = arith.muli %add3A_20, %mul3A_26 : i32
        %multiple_of3A = tpu.assume_multiple %mul3A_27, 128 : i32
        "tpu.region"() ({
          %run_scoped3A_51 = tpu.sem_alloc : memref<!tpu.dma_semaphore, #tpu.memory_space<semaphore_mem>>
          %dma_start3A_52 = tpu.memref_slice %arg3[%multiple_of3A] : memref<800000xi32, #tpu.memory_space<hbm>> -> memref<128xi32, #tpu.memory_space<hbm>>
          %dma_start3A_53 = tpu.memref_slice %arg3[%multiple_of3A] : memref<800000xi32, #tpu.memory_space<hbm>> -> memref<128xi32, #tpu.memory_space<hbm>>
          tpu.enqueue_dma source(%dma_start3A_53 : memref<128xi32, #tpu.memory_space<hbm>>) target(%arg8 : memref<128xi32, #tpu.memory_space<vmem>>) target_semaphore(%run_scoped3A_51 : memref<!tpu.dma_semaphore, #tpu.memory_space<semaphore_mem>>)
          %dma_wait3A_54 = tpu.memref_slice %arg3[%multiple_of3A] : memref<800000xi32, #tpu.memory_space<hbm>> -> memref<128xi32, #tpu.memory_space<hbm>>
          %dma_wait3A_55 = tpu.memref_slice %arg3[%multiple_of3A] : memref<800000xi32, #tpu.memory_space<hbm>> -> memref<128xi32, #tpu.memory_space<hbm>>
          tpu.wait_dma2 semaphore(%run_scoped3A_51 : memref<!tpu.dma_semaphore, #tpu.memory_space<semaphore_mem>>) src(%dma_wait3A_55 : memref<128xi32, #tpu.memory_space<hbm>>) dst(%arg8 : memref<128xi32, #tpu.memory_space<vmem>>)
          tpu.yield
        }) : () -> ()
        %run_scoped3A = arith.constant 0 : i32
        "tpu.region"() ({
          %run_scoped3A_51 = tpu.sem_alloc : memref<!tpu.dma_semaphore, #tpu.memory_space<semaphore_mem>>
          %dma_start3A_52 = arith.constant 0 : i32
          %dma_start3A_53 = tpu.memref_slice %arg9[%run_scoped3A, %dma_start3A_52] : memref<1x128xi32, #tpu.memory_space<vmem>> -> memref<1x128xi32, #tpu.memory_space<vmem>>
          %dma_start3A_54 = tpu.memref_squeeze %dma_start3A_53 : memref<1x128xi32, #tpu.memory_space<vmem>> -> memref<128xi32, #tpu.memory_space<vmem>>
          %dma_start3A_55 = tpu.memref_slice %arg4[%multiple_of3A] : memref<800000xi32, #tpu.memory_space<hbm>> -> memref<128xi32, #tpu.memory_space<hbm>>
          %dma_start3A_56 = arith.constant 0 : i32
          %dma_start3A_57 = tpu.memref_slice %arg9[%run_scoped3A, %dma_start3A_56] : memref<1x128xi32, #tpu.memory_space<vmem>> -> memref<1x128xi32, #tpu.memory_space<vmem>>
          %dma_start3A_58 = tpu.memref_squeeze %dma_start3A_57 : memref<1x128xi32, #tpu.memory_space<vmem>> -> memref<128xi32, #tpu.memory_space<vmem>>
          %dma_start3A_59 = tpu.memref_slice %arg4[%multiple_of3A] : memref<800000xi32, #tpu.memory_space<hbm>> -> memref<128xi32, #tpu.memory_space<hbm>>
          tpu.enqueue_dma source(%dma_start3A_59 : memref<128xi32, #tpu.memory_space<hbm>>) target(%dma_start3A_58 : memref<128xi32, #tpu.memory_space<vmem>>) target_semaphore(%run_scoped3A_51 : memref<!tpu.dma_semaphore, #tpu.memory_space<semaphore_mem>>)
          %dma_wait3A_60 = arith.constant 0 : i32
          %dma_wait3A_61 = tpu.memref_slice %arg9[%run_scoped3A, %dma_wait3A_60] : memref<1x128xi32, #tpu.memory_space<vmem>> -> memref<1x128xi32, #tpu.memory_space<vmem>>
          %dma_wait3A_62 = tpu.memref_squeeze %dma_wait3A_61 : memref<1x128xi32, #tpu.memory_space<vmem>> -> memref<128xi32, #tpu.memory_space<vmem>>
          %dma_wait3A_63 = tpu.memref_slice %arg4[%multiple_of3A] : memref<800000xi32, #tpu.memory_space<hbm>> -> memref<128xi32, #tpu.memory_space<hbm>>
          %dma_wait3A_64 = arith.constant 0 : i32
          %dma_wait3A_65 = tpu.memref_slice %arg9[%run_scoped3A, %dma_wait3A_64] : memref<1x128xi32, #tpu.memory_space<vmem>> -> memref<1x128xi32, #tpu.memory_space<vmem>>
          %dma_wait3A_66 = tpu.memref_squeeze %dma_wait3A_65 : memref<1x128xi32, #tpu.memory_space<vmem>> -> memref<128xi32, #tpu.memory_space<vmem>>
          %dma_wait3A_67 = tpu.memref_slice %arg4[%multiple_of3A] : memref<800000xi32, #tpu.memory_space<hbm>> -> memref<128xi32, #tpu.memory_space<hbm>>
          tpu.wait_dma2 semaphore(%run_scoped3A_51 : memref<!tpu.dma_semaphore, #tpu.memory_space<semaphore_mem>>) src(%dma_wait3A_67 : memref<128xi32, #tpu.memory_space<hbm>>) dst(%dma_wait3A_66 : memref<128xi32, #tpu.memory_space<vmem>>)
          tpu.yield
        }) : () -> ()
        %dma_start3A = arith.constant 0 : i32
        %dma_start3A_28 = arith.constant 0 : i32
        %dma_start3A_29 = tpu.memref_slice %arg2[%dma_start3A, %dma_start3A_28] : memref<50000x64xf32, #tpu.memory_space<hbm>> -> memref<50000x64xf32, #tpu.memory_space<hbm>>
        tpu.enqueue_indirect_dma source(%dma_start3A_29 : memref<50000x64xf32, #tpu.memory_space<hbm>>) target(%arg10 : memref<128x64xf32, #tpu.memory_space<vmem>>) offsets(%arg8 : memref<128xi32, #tpu.memory_space<vmem>>) semaphore(%arg13 : memref<!tpu.dma_semaphore, #tpu.memory_space<semaphore_mem>>)
        %dma_start3A_30 = arith.constant 0 : i32
        %dma_start3A_31 = tpu.memref_slice %arg5[%multiple_of3A, %dma_start3A_30] : memref<800000x64xf32, #tpu.memory_space<hbm>> -> memref<128x64xf32, #tpu.memory_space<hbm>>
        %dma_start3A_32 = arith.constant 0 : i32
        %dma_start3A_33 = tpu.memref_slice %arg5[%multiple_of3A, %dma_start3A_32] : memref<800000x64xf32, #tpu.memory_space<hbm>> -> memref<128x64xf32, #tpu.memory_space<hbm>>
        tpu.enqueue_dma source(%dma_start3A_33 : memref<128x64xf32, #tpu.memory_space<hbm>>) target(%arg11 : memref<128x64xf32, #tpu.memory_space<vmem>>) target_semaphore(%arg14 : memref<!tpu.dma_semaphore, #tpu.memory_space<semaphore_mem>>)
        %scan3A_34 = arith.constant 0 : i32
        %scan3A_35 = arith.constant 8 : i32
        %scan3A_36 = arith.addi %scan3A_34, %scan3A_35 : i32
        %scan3A_37 = arith.constant 1 : i32
        scf.for %scan3A_51 = %scan3A_34 to %scan3A_36 step %scan3A_37  : i32 {
          %mul3A_52 = arith.constant 1 : i32
          %mul3A_53 = arith.muli %scan3A_51, %mul3A_52 : i32
          %add3A_54 = arith.constant 0 : i32
          %add3A_55 = arith.addi %add3A_54, %mul3A_53 : i32
          %mul3A_56 = arith.constant 16 : i32
          %mul3A_57 = arith.muli %add3A_55, %mul3A_56 : i32
          %get3A = arith.constant 0 : i32
          %get3A_58 = arith.index_cast %get3A : i32 to index
          %get3A_59 = arith.index_cast %mul3A_57 : i32 to index
          %get3A_60 = tpu.vector_load %arg9[%get3A_58, %get3A_59] {strides = array<i32>} : memref<1x128xi32, #tpu.memory_space<vmem>>, vector<1x16xi32>,
          %get3A_61 = vector.shape_cast %get3A_60 : vector<1x16xi32> to vector<16xi32>
          %sub3A = vector.broadcast %mul3A_0 : i32 to vector<16xi32>
          %sub3A_62 = arith.subi %get3A_61, %sub3A : vector<16xi32>
          %ge3A = arith.constant 0 : i32
          %ge3A_63 = vector.broadcast %ge3A : i32 to vector<16xi32>
          %ge3A_64 = arith.cmpi sge, %sub3A_62, %ge3A_63 : vector<16xi32>
          %lt3A_65 = arith.constant 25000 : i32
          %lt3A_66 = vector.broadcast %lt3A_65 : i32 to vector<16xi32>
          %lt3A_67 = arith.cmpi slt, %sub3A_62, %lt3A_66 : vector<16xi32>
          %and3A = arith.andi %ge3A_64, %lt3A_67 : vector<16xi1>
          %jit3A = arith.constant 25000 : i32
          %broadcast_in_dim3A = vector.broadcast %jit3A : i32 to vector<16xi32>
          %select_n3A = arith.select %and3A, %sub3A_62, %broadcast_in_dim3A : vector<16xi1>, vector<16xi32>
          %mul3A_68 = arith.constant 16 : i32
          %mul3A_69 = arith.muli %add3A_55, %mul3A_68 : i32
          %swap3A = arith.constant 0 : i32
          %swap3A_70 = arith.index_cast %swap3A : i32 to index
          %swap3A_71 = arith.index_cast %mul3A_69 : i32 to index
          %swap3A_72 = tpu.vector_load %arg9[%swap3A_70, %swap3A_71] {strides = array<i32>} : memref<1x128xi32, #tpu.memory_space<vmem>>, vector<1x16xi32>,
          %swap3A_73 = vector.shape_cast %swap3A_72 : vector<1x16xi32> to vector<16xi32>
          %swap3A_74 = vector.shape_cast %select_n3A : vector<16xi32> to vector<1x16xi32>
          tpu.vector_store %arg9[%swap3A_70, %swap3A_71], %swap3A_74 {strides = array<i32>} : memref<1x128xi32, #tpu.memory_space<vmem>>, vector<1x16xi32>,
        }
        %scan3A_38 = arith.constant 8 : i32
        %dma_wait3A = arith.constant 0 : i32
        %dma_wait3A_39 = arith.constant 0 : i32
        %dma_wait3A_40 = tpu.memref_slice %arg2[%dma_wait3A, %dma_wait3A_39] : memref<50000x64xf32, #tpu.memory_space<hbm>> -> memref<50000x64xf32, #tpu.memory_space<hbm>>
        tpu.wait_indirect_dma semaphore(%arg13 : memref<!tpu.dma_semaphore, #tpu.memory_space<semaphore_mem>>) src(%dma_wait3A_40 : memref<50000x64xf32, #tpu.memory_space<hbm>>) dst(%arg10 : memref<128x64xf32, #tpu.memory_space<vmem>>)
        %dma_wait3A_41 = arith.constant 0 : i32
        %dma_wait3A_42 = tpu.memref_slice %arg5[%multiple_of3A, %dma_wait3A_41] : memref<800000x64xf32, #tpu.memory_space<hbm>> -> memref<128x64xf32, #tpu.memory_space<hbm>>
        %dma_wait3A_43 = arith.constant 0 : i32
        %dma_wait3A_44 = tpu.memref_slice %arg5[%multiple_of3A, %dma_wait3A_43] : memref<800000x64xf32, #tpu.memory_space<hbm>> -> memref<128x64xf32, #tpu.memory_space<hbm>>
        tpu.wait_dma2 semaphore(%arg14 : memref<!tpu.dma_semaphore, #tpu.memory_space<semaphore_mem>>) src(%dma_wait3A_44 : memref<128x64xf32, #tpu.memory_space<hbm>>) dst(%arg11 : memref<128x64xf32, #tpu.memory_space<vmem>>)
        %scan3A_45 = arith.constant 0 : i32
        %scan3A_46 = arith.constant 128 : i32
        %scan3A_47 = arith.addi %scan3A_45, %scan3A_46 : i32
        %scan3A_48 = arith.constant 1 : i32
        scf.for %scan3A_51 = %scan3A_45 to %scan3A_47 step %scan3A_48  : i32 {
          %mul3A_52 = arith.constant 1 : i32
          %mul3A_53 = arith.muli %scan3A_51, %mul3A_52 : i32
          %add3A_54 = arith.constant 0 : i32
          %add3A_55 = arith.addi %add3A_54, %mul3A_53 : i32
          %get3A = arith.index_cast %add3A_55 : i32 to index
          %get3A_56 = arith.constant 0 : index
          %get3A_57 = tpu.vector_load %arg10[%get3A, %get3A_56] {strides = array<i32>} : memref<128x64xf32, #tpu.memory_space<vmem>>, vector<1x16xf32>,
          %get3A_58 = vector.shape_cast %get3A_57 : vector<1x16xf32> to vector<16xf32>
          %get3A_59 = arith.index_cast %add3A_55 : i32 to index
          %get3A_60 = arith.constant 0 : index
          %get3A_61 = tpu.vector_load %arg11[%get3A_59, %get3A_60] {strides = array<i32>} : memref<128x64xf32, #tpu.memory_space<vmem>>, vector<1x16xf32>,
          %get3A_62 = vector.shape_cast %get3A_61 : vector<1x16xf32> to vector<16xf32>
          %add3A_63 = arith.addf %get3A_58, %get3A_62 : vector<16xf32>
          %max3A = arith.constant 0.000000e+00 : f32
          %max3A_64 = vector.broadcast %max3A : f32 to vector<16xf32>
          %max3A_65 = arith.maximumf %add3A_63, %max3A_64 : vector<16xf32>
          %swap3A = arith.index_cast %add3A_55 : i32 to index
          %swap3A_66 = arith.constant 0 : index
          %swap3A_67 = tpu.vector_load %arg10[%swap3A, %swap3A_66] {strides = array<i32>} : memref<128x64xf32, #tpu.memory_space<vmem>>, vector<1x16xf32>,
          %swap3A_68 = vector.shape_cast %swap3A_67 : vector<1x16xf32> to vector<16xf32>
          %swap3A_69 = vector.shape_cast %max3A_65 : vector<16xf32> to vector<1x16xf32>
          tpu.vector_store %arg10[%swap3A, %swap3A_66], %swap3A_69 {strides = array<i32>} : memref<128x64xf32, #tpu.memory_space<vmem>>, vector<1x16xf32>,
          %get3A_70 = arith.index_cast %add3A_55 : i32 to index
          %get3A_71 = arith.constant 16 : index
          %get3A_72 = tpu.vector_load %arg10[%get3A_70, %get3A_71] {strides = array<i32>} : memref<128x64xf32, #tpu.memory_space<vmem>>, vector<1x16xf32>,
          %get3A_73 = vector.shape_cast %get3A_72 : vector<1x16xf32> to vector<16xf32>
          %get3A_74 = arith.index_cast %add3A_55 : i32 to index
          %get3A_75 = arith.constant 16 : index
          %get3A_76 = tpu.vector_load %arg11[%get3A_74, %get3A_75] {strides = array<i32>} : memref<128x64xf32, #tpu.memory_space<vmem>>, vector<1x16xf32>,
          %get3A_77 = vector.shape_cast %get3A_76 : vector<1x16xf32> to vector<16xf32>
          %add3A_78 = arith.addf %get3A_73, %get3A_77 : vector<16xf32>
          %max3A_79 = arith.constant 0.000000e+00 : f32
          %max3A_80 = vector.broadcast %max3A_79 : f32 to vector<16xf32>
          %max3A_81 = arith.maximumf %add3A_78, %max3A_80 : vector<16xf32>
          %swap3A_82 = arith.index_cast %add3A_55 : i32 to index
          %swap3A_83 = arith.constant 16 : index
          %swap3A_84 = tpu.vector_load %arg10[%swap3A_82, %swap3A_83] {strides = array<i32>} : memref<128x64xf32, #tpu.memory_space<vmem>>, vector<1x16xf32>,
          %swap3A_85 = vector.shape_cast %swap3A_84 : vector<1x16xf32> to vector<16xf32>
          %swap3A_86 = vector.shape_cast %max3A_81 : vector<16xf32> to vector<1x16xf32>
          tpu.vector_store %arg10[%swap3A_82, %swap3A_83], %swap3A_86 {strides = array<i32>} : memref<128x64xf32, #tpu.memory_space<vmem>>, vector<1x16xf32>,
          %get3A_87 = arith.index_cast %add3A_55 : i32 to index
          %get3A_88 = arith.constant 32 : index
          %get3A_89 = tpu.vector_load %arg10[%get3A_87, %get3A_88] {strides = array<i32>} : memref<128x64xf32, #tpu.memory_space<vmem>>, vector<1x16xf32>,
          %get3A_90 = vector.shape_cast %get3A_89 : vector<1x16xf32> to vector<16xf32>
          %get3A_91 = arith.index_cast %add3A_55 : i32 to index
          %get3A_92 = arith.constant 32 : index
          %get3A_93 = tpu.vector_load %arg11[%get3A_91, %get3A_92] {strides = array<i32>} : memref<128x64xf32, #tpu.memory_space<vmem>>, vector<1x16xf32>,
          %get3A_94 = vector.shape_cast %get3A_93 : vector<1x16xf32> to vector<16xf32>
          %add3A_95 = arith.addf %get3A_90, %get3A_94 : vector<16xf32>
          %max3A_96 = arith.constant 0.000000e+00 : f32
          %max3A_97 = vector.broadcast %max3A_96 : f32 to vector<16xf32>
          %max3A_98 = arith.maximumf %add3A_95, %max3A_97 : vector<16xf32>
          %swap3A_99 = arith.index_cast %add3A_55 : i32 to index
          %swap3A_100 = arith.constant 32 : index
          %swap3A_101 = tpu.vector_load %arg10[%swap3A_99, %swap3A_100] {strides = array<i32>} : memref<128x64xf32, #tpu.memory_space<vmem>>, vector<1x16xf32>,
          %swap3A_102 = vector.shape_cast %swap3A_101 : vector<1x16xf32> to vector<16xf32>
          %swap3A_103 = vector.shape_cast %max3A_98 : vector<16xf32> to vector<1x16xf32>
          tpu.vector_store %arg10[%swap3A_99, %swap3A_100], %swap3A_103 {strides = array<i32>} : memref<128x64xf32, #tpu.memory_space<vmem>>, vector<1x16xf32>,
          %get3A_104 = arith.index_cast %add3A_55 : i32 to index
          %get3A_105 = arith.constant 48 : index
          %get3A_106 = tpu.vector_load %arg10[%get3A_104, %get3A_105] {strides = array<i32>} : memref<128x64xf32, #tpu.memory_space<vmem>>, vector<1x16xf32>,
          %get3A_107 = vector.shape_cast %get3A_106 : vector<1x16xf32> to vector<16xf32>
          %get3A_108 = arith.index_cast %add3A_55 : i32 to index
          %get3A_109 = arith.constant 48 : index
          %get3A_110 = tpu.vector_load %arg11[%get3A_108, %get3A_109] {strides = array<i32>} : memref<128x64xf32, #tpu.memory_space<vmem>>, vector<1x16xf32>,
          %get3A_111 = vector.shape_cast %get3A_110 : vector<1x16xf32> to vector<16xf32>
          %add3A_112 = arith.addf %get3A_107, %get3A_111 : vector<16xf32>
          %max3A_113 = arith.constant 0.000000e+00 : f32
          %max3A_114 = vector.broadcast %max3A_113 : f32 to vector<16xf32>
          %max3A_115 = arith.maximumf %add3A_112, %max3A_114 : vector<16xf32>
          %swap3A_116 = arith.index_cast %add3A_55 : i32 to index
          %swap3A_117 = arith.constant 48 : index
          %swap3A_118 = tpu.vector_load %arg10[%swap3A_116, %swap3A_117] {strides = array<i32>} : memref<128x64xf32, #tpu.memory_space<vmem>>, vector<1x16xf32>,
          %swap3A_119 = vector.shape_cast %swap3A_118 : vector<1x16xf32> to vector<16xf32>
          %swap3A_120 = vector.shape_cast %max3A_115 : vector<16xf32> to vector<1x16xf32>
          tpu.vector_store %arg10[%swap3A_116, %swap3A_117], %swap3A_120 {strides = array<i32>} : memref<128x64xf32, #tpu.memory_space<vmem>>, vector<1x16xf32>,
        }
        %scan3A_49 = arith.constant 128 : i32
        %run_scoped3A_50 = arith.constant 0 : i32
        "tpu.region"() ({
          %run_scoped3A_51 = tpu.sem_alloc : memref<!tpu.dma_semaphore, #tpu.memory_space<semaphore_mem>>
          %dma_start3A_52 = arith.constant 0 : i32
          %dma_start3A_53 = tpu.memref_slice %arg9[%run_scoped3A_50, %dma_start3A_52] : memref<1x128xi32, #tpu.memory_space<vmem>> -> memref<1x128xi32, #tpu.memory_space<vmem>>
          %dma_start3A_54 = tpu.memref_squeeze %dma_start3A_53 : memref<1x128xi32, #tpu.memory_space<vmem>> -> memref<128xi32, #tpu.memory_space<vmem>>
          %dma_start3A_55 = arith.constant 0 : i32
          %dma_start3A_56 = arith.constant 0 : i32
          %dma_start3A_57 = tpu.memref_slice %arg12[%dma_start3A_55, %dma_start3A_56] : memref<25088x64xf32, #tpu.memory_space<vmem_shared>> -> memref<25088x64xf32, #tpu.memory_space<vmem_shared>>
          tpu.enqueue_indirect_dma source(%arg10 : memref<128x64xf32, #tpu.memory_space<vmem>>) target(%dma_start3A_57 : memref<25088x64xf32, #tpu.memory_space<vmem_shared>>) offsets(%dma_start3A_54 : memref<128xi32, #tpu.memory_space<vmem>>) semaphore(%run_scoped3A_51 : memref<!tpu.dma_semaphore, #tpu.memory_space<semaphore_mem>>) {add = true}
          %dma_wait3A_58 = arith.constant 0 : i32
          %dma_wait3A_59 = tpu.memref_slice %arg9[%run_scoped3A_50, %dma_wait3A_58] : memref<1x128xi32, #tpu.memory_space<vmem>> -> memref<1x128xi32, #tpu.memory_space<vmem>>
          %dma_wait3A_60 = tpu.memref_squeeze %dma_wait3A_59 : memref<1x128xi32, #tpu.memory_space<vmem>> -> memref<128xi32, #tpu.memory_space<vmem>>
          %dma_wait3A_61 = arith.constant 0 : i32
          %dma_wait3A_62 = arith.constant 0 : i32
          %dma_wait3A_63 = tpu.memref_slice %arg12[%dma_wait3A_61, %dma_wait3A_62] : memref<25088x64xf32, #tpu.memory_space<vmem_shared>> -> memref<25088x64xf32, #tpu.memory_space<vmem_shared>>
          tpu.wait_indirect_dma semaphore(%run_scoped3A_51 : memref<!tpu.dma_semaphore, #tpu.memory_space<semaphore_mem>>) src(%arg10 : memref<128x64xf32, #tpu.memory_space<vmem>>) dst(%dma_wait3A_63 : memref<25088x64xf32, #tpu.memory_space<vmem_shared>>)
          tpu.yield
        }) : () -> ()
      } else {
      }
    }
    %scan3A_6 = arith.constant 391 : i32
    %barrier3A_7 = arith.constant 0 : index
    tpu.barrier barrier_id(%barrier3A_7)
    %lt3A = arith.constant 15 : i32
    %lt3A_8 = arith.cmpi slt, %arg1, %lt3A : i32
    %convert_element_type3A = arith.extui %lt3A_8 : i1 to i32
    %cond3A = arith.constant 0 : i32
    %cond3A_9 = arith.cmpi ne, %convert_element_type3A, %cond3A : i32
    scf.if %cond3A_9 {
      %mul3A_14 = arith.constant 1568 : i32
      %mul3A_15 = arith.muli %arg1, %mul3A_14 : i32
      %mul3A_16 = arith.constant 1568 : i32
      %mul3A_17 = arith.muli %arg1, %mul3A_16 : i32
      %add3A = arith.addi %mul3A_0, %mul3A_17 : i32
      "tpu.region"() ({
        %run_scoped3A = tpu.sem_alloc : memref<!tpu.dma_semaphore, #tpu.memory_space<semaphore_mem>>
        %dma_start3A = arith.constant 0 : i32
        %dma_start3A_18 = tpu.memref_slice %arg7[%add3A, %dma_start3A] : memref<50000x64xf32, #tpu.memory_space<hbm>> -> memref<1568x64xf32, #tpu.memory_space<hbm>>
        %dma_start3A_19 = arith.constant 0 : i32
        %dma_start3A_20 = tpu.memref_slice %arg12[%mul3A_15, %dma_start3A_19] : memref<25088x64xf32, #tpu.memory_space<vmem_shared>> -> memref<1568x64xf32, #tpu.memory_space<vmem_shared>>
        tpu.enqueue_dma source(%dma_start3A_20 : memref<1568x64xf32, #tpu.memory_space<vmem_shared>>) target(%dma_start3A_18 : memref<1568x64xf32, #tpu.memory_space<hbm>>) target_semaphore(%run_scoped3A : memref<!tpu.dma_semaphore, #tpu.memory_space<semaphore_mem>>)
        %dma_wait3A = arith.constant 0 : i32
        %dma_wait3A_21 = tpu.memref_slice %arg7[%add3A, %dma_wait3A] : memref<50000x64xf32, #tpu.memory_space<hbm>> -> memref<1568x64xf32, #tpu.memory_space<hbm>>
        %dma_wait3A_22 = arith.constant 0 : i32
        %dma_wait3A_23 = tpu.memref_slice %arg12[%mul3A_15, %dma_wait3A_22] : memref<25088x64xf32, #tpu.memory_space<vmem_shared>> -> memref<1568x64xf32, #tpu.memory_space<vmem_shared>>
        tpu.wait_dma2 semaphore(%run_scoped3A : memref<!tpu.dma_semaphore, #tpu.memory_space<semaphore_mem>>) src(%dma_wait3A_23 : memref<1568x64xf32, #tpu.memory_space<vmem_shared>>) dst(%dma_wait3A_21 : memref<1568x64xf32, #tpu.memory_space<hbm>>)
        tpu.yield
      }) : () -> ()
    } else {
    }
    %eq3A = arith.constant 15 : i32
    %eq3A_10 = arith.cmpi eq, %arg1, %eq3A : i32
    %convert_element_type3A_11 = arith.extui %eq3A_10 : i1 to i32
    %cond3A_12 = arith.constant 0 : i32
    %cond3A_13 = arith.cmpi ne, %convert_element_type3A_11, %cond3A_12 : i32
    scf.if %cond3A_13 {
      %add3A = arith.constant 23520 : i32
      %add3A_14 = arith.addi %mul3A_0, %add3A : i32
      "tpu.region"() ({
        %run_scoped3A = tpu.sem_alloc : memref<!tpu.dma_semaphore, #tpu.memory_space<semaphore_mem>>
        %dma_start3A = arith.constant 0 : i32
        %dma_start3A_15 = tpu.memref_slice %arg7[%add3A_14, %dma_start3A] : memref<50000x64xf32, #tpu.memory_space<hbm>> -> memref<1480x64xf32, #tpu.memory_space<hbm>>
        %dma_start3A_16 = arith.constant 23520 : i32
        %dma_start3A_17 = arith.constant 0 : i32
        %dma_start3A_18 = tpu.memref_slice %arg12[%dma_start3A_16, %dma_start3A_17] : memref<25088x64xf32, #tpu.memory_space<vmem_shared>> -> memref<1480x64xf32, #tpu.memory_space<vmem_shared>>
        tpu.enqueue_dma source(%dma_start3A_18 : memref<1480x64xf32, #tpu.memory_space<vmem_shared>>) target(%dma_start3A_15 : memref<1480x64xf32, #tpu.memory_space<hbm>>) target_semaphore(%run_scoped3A : memref<!tpu.dma_semaphore, #tpu.memory_space<semaphore_mem>>)
        %dma_wait3A = arith.constant 0 : i32
        %dma_wait3A_19 = tpu.memref_slice %arg7[%add3A_14, %dma_wait3A] : memref<50000x64xf32, #tpu.memory_space<hbm>> -> memref<1480x64xf32, #tpu.memory_space<hbm>>
        %dma_wait3A_20 = arith.constant 23520 : i32
        %dma_wait3A_21 = arith.constant 0 : i32
        %dma_wait3A_22 = tpu.memref_slice %arg12[%dma_wait3A_20, %dma_wait3A_21] : memref<25088x64xf32, #tpu.memory_space<vmem_shared>> -> memref<1480x64xf32, #tpu.memory_space<vmem_shared>>
        tpu.wait_dma2 semaphore(%run_scoped3A : memref<!tpu.dma_semaphore, #tpu.memory_space<semaphore_mem>>) src(%dma_wait3A_22 : memref<1480x64xf32, #tpu.memory_space<vmem_shared>>) dst(%dma_wait3A_19 : memref<1480x64xf32, #tpu.memory_space<hbm>>)
        tpu.yield
      }) : () -> ()
    } else {
    }
    return
  }
}

#map = affine_map<(d0, d1) -> (0, 0)>
#map1 = affine_map<(d0, d1) -> (0)>
module attributes {stable_mosaic.version = 14 : i64} {
  func.func @_sc_body(%arg0: i32, %arg1: i32, %arg2: memref<50000x64xf32, #tpu.memory_space<hbm>>, %arg3: memref<800000xi32, #tpu.memory_space<hbm>>, %arg4: memref<800000xi32, #tpu.memory_space<hbm>>, %arg5: memref<800000x64xf32, #tpu.memory_space<hbm>>, %arg6: memref<25088x64xf32, #tpu.memory_space<hbm>>, %arg7: memref<50000x64xf32, #tpu.memory_space<hbm>>, %arg8: memref<128xi32, #tpu.memory_space<vmem>>, %arg9: memref<1x128xi32, #tpu.memory_space<vmem>>, %arg10: memref<128x64xf32, #tpu.memory_space<vmem>>, %arg11: memref<128x64xf32, #tpu.memory_space<vmem>>, %arg12: memref<25088x64xf32, #tpu.memory_space<vmem_shared>>, %arg13: memref<!tpu.dma_semaphore, #tpu.memory_space<semaphore_mem>>, %arg14: memref<!tpu.dma_semaphore, #tpu.memory_space<semaphore_mem>>) attributes {dimension_semantics = [#tpu.dimension_semantics<core_parallel>, #tpu.dimension_semantics<subcore_parallel>], iteration_bounds = array<i64: 2, 16>, scalar_prefetch = 0 : i64, scratch_operands = 7 : i64, tpu.core_type = #tpu.core_type<sc_vector_subcore>, window_params = [{transform_indices = #map}, {transform_indices = #map1}, {transform_indices = #map1}, {transform_indices = #map}, {transform_indices = #map}, {transform_indices = #map}]} {
    %mul3A = arith.constant 25000 : i32
    %mul3A_0 = arith.muli %arg0, %mul3A : i32
    %mul3A_1 = arith.constant 1568 : i32
    %mul3A_2 = arith.muli %arg1, %mul3A_1 : i32
    "tpu.region"() ({
      %run_scoped3A = tpu.sem_alloc : memref<!tpu.dma_semaphore, #tpu.memory_space<semaphore_mem>>
      %dma_start3A = arith.constant 0 : i32
      %dma_start3A_14 = tpu.memref_slice %arg12[%mul3A_2, %dma_start3A] : memref<25088x64xf32, #tpu.memory_space<vmem_shared>> -> memref<1568x64xf32, #tpu.memory_space<vmem_shared>>
      %dma_start3A_15 = arith.constant 0 : i32
      %dma_start3A_16 = tpu.memref_slice %arg6[%mul3A_2, %dma_start3A_15] : memref<25088x64xf32, #tpu.memory_space<hbm>> -> memref<1568x64xf32, #tpu.memory_space<hbm>>
      tpu.enqueue_dma source(%dma_start3A_16 : memref<1568x64xf32, #tpu.memory_space<hbm>>) target(%dma_start3A_14 : memref<1568x64xf32, #tpu.memory_space<vmem_shared>>) target_semaphore(%run_scoped3A : memref<!tpu.dma_semaphore, #tpu.memory_space<semaphore_mem>>)
      %dma_wait3A = arith.constant 0 : i32
      %dma_wait3A_17 = tpu.memref_slice %arg12[%mul3A_2, %dma_wait3A] : memref<25088x64xf32, #tpu.memory_space<vmem_shared>> -> memref<1568x64xf32, #tpu.memory_space<vmem_shared>>
      %dma_wait3A_18 = arith.constant 0 : i32
      %dma_wait3A_19 = tpu.memref_slice %arg6[%mul3A_2, %dma_wait3A_18] : memref<25088x64xf32, #tpu.memory_space<hbm>> -> memref<1568x64xf32, #tpu.memory_space<hbm>>
      tpu.wait_dma2 semaphore(%run_scoped3A : memref<!tpu.dma_semaphore, #tpu.memory_space<semaphore_mem>>) src(%dma_wait3A_19 : memref<1568x64xf32, #tpu.memory_space<hbm>>) dst(%dma_wait3A_17 : memref<1568x64xf32, #tpu.memory_space<vmem_shared>>)
      tpu.yield
    }) : () -> ()
    %barrier3A = arith.constant 0 : index
    tpu.barrier barrier_id(%barrier3A)
    %scan3A = arith.constant 0 : i32
    %scan3A_3 = arith.constant 391 : i32
    %scan3A_4 = arith.addi %scan3A, %scan3A_3 : i32
    %scan3A_5 = arith.constant 1 : i32
    scf.for %scan3A_14 = %scan3A to %scan3A_4 step %scan3A_5  : i32 {
      %mul3A_15 = arith.constant 1 : i32
      %mul3A_16 = arith.muli %scan3A_14, %mul3A_15 : i32
      %add3A = arith.constant 0 : i32
      %add3A_17 = arith.addi %add3A, %mul3A_16 : i32
      %mul3A_18 = arith.constant 391 : i32
      %mul3A_19 = arith.muli %arg1, %mul3A_18 : i32
      %add3A_20 = arith.addi %mul3A_19, %add3A_17 : i32
      %lt3A_21 = arith.constant 6250 : i32
      %lt3A_22 = arith.cmpi slt, %add3A_20, %lt3A_21 : i32
      %convert_element_type3A_23 = arith.extui %lt3A_22 : i1 to i32
      %cond3A_24 = arith.constant 0 : i32
      %cond3A_25 = arith.cmpi ne, %convert_element_type3A_23, %cond3A_24 : i32
      scf.if %cond3A_25 {
        %mul3A_26 = arith.constant 128 : i32
        %mul3A_27 = arith.muli %add3A_20, %mul3A_26 : i32
        %multiple_of3A = tpu.assume_multiple %mul3A_27, 128 : i32
        "tpu.region"() ({
          %run_scoped3A_51 = tpu.sem_alloc : memref<!tpu.dma_semaphore, #tpu.memory_space<semaphore_mem>>
          %dma_start3A_52 = tpu.memref_slice %arg3[%multiple_of3A] : memref<800000xi32, #tpu.memory_space<hbm>> -> memref<128xi32, #tpu.memory_space<hbm>>
          %dma_start3A_53 = tpu.memref_slice %arg3[%multiple_of3A] : memref<800000xi32, #tpu.memory_space<hbm>> -> memref<128xi32, #tpu.memory_space<hbm>>
          tpu.enqueue_dma source(%dma_start3A_53 : memref<128xi32, #tpu.memory_space<hbm>>) target(%arg8 : memref<128xi32, #tpu.memory_space<vmem>>) target_semaphore(%run_scoped3A_51 : memref<!tpu.dma_semaphore, #tpu.memory_space<semaphore_mem>>)
          %dma_wait3A_54 = tpu.memref_slice %arg3[%multiple_of3A] : memref<800000xi32, #tpu.memory_space<hbm>> -> memref<128xi32, #tpu.memory_space<hbm>>
          %dma_wait3A_55 = tpu.memref_slice %arg3[%multiple_of3A] : memref<800000xi32, #tpu.memory_space<hbm>> -> memref<128xi32, #tpu.memory_space<hbm>>
          tpu.wait_dma2 semaphore(%run_scoped3A_51 : memref<!tpu.dma_semaphore, #tpu.memory_space<semaphore_mem>>) src(%dma_wait3A_55 : memref<128xi32, #tpu.memory_space<hbm>>) dst(%arg8 : memref<128xi32, #tpu.memory_space<vmem>>)
          tpu.yield
        }) : () -> ()
        %run_scoped3A = arith.constant 0 : i32
        "tpu.region"() ({
          %run_scoped3A_51 = tpu.sem_alloc : memref<!tpu.dma_semaphore, #tpu.memory_space<semaphore_mem>>
          %dma_start3A_52 = arith.constant 0 : i32
          %dma_start3A_53 = tpu.memref_slice %arg9[%run_scoped3A, %dma_start3A_52] : memref<1x128xi32, #tpu.memory_space<vmem>> -> memref<1x128xi32, #tpu.memory_space<vmem>>
          %dma_start3A_54 = tpu.memref_squeeze %dma_start3A_53 : memref<1x128xi32, #tpu.memory_space<vmem>> -> memref<128xi32, #tpu.memory_space<vmem>>
          %dma_start3A_55 = tpu.memref_slice %arg4[%multiple_of3A] : memref<800000xi32, #tpu.memory_space<hbm>> -> memref<128xi32, #tpu.memory_space<hbm>>
          %dma_start3A_56 = arith.constant 0 : i32
          %dma_start3A_57 = tpu.memref_slice %arg9[%run_scoped3A, %dma_start3A_56] : memref<1x128xi32, #tpu.memory_space<vmem>> -> memref<1x128xi32, #tpu.memory_space<vmem>>
          %dma_start3A_58 = tpu.memref_squeeze %dma_start3A_57 : memref<1x128xi32, #tpu.memory_space<vmem>> -> memref<128xi32, #tpu.memory_space<vmem>>
          %dma_start3A_59 = tpu.memref_slice %arg4[%multiple_of3A] : memref<800000xi32, #tpu.memory_space<hbm>> -> memref<128xi32, #tpu.memory_space<hbm>>
          tpu.enqueue_dma source(%dma_start3A_59 : memref<128xi32, #tpu.memory_space<hbm>>) target(%dma_start3A_58 : memref<128xi32, #tpu.memory_space<vmem>>) target_semaphore(%run_scoped3A_51 : memref<!tpu.dma_semaphore, #tpu.memory_space<semaphore_mem>>)
          %dma_wait3A_60 = arith.constant 0 : i32
          %dma_wait3A_61 = tpu.memref_slice %arg9[%run_scoped3A, %dma_wait3A_60] : memref<1x128xi32, #tpu.memory_space<vmem>> -> memref<1x128xi32, #tpu.memory_space<vmem>>
          %dma_wait3A_62 = tpu.memref_squeeze %dma_wait3A_61 : memref<1x128xi32, #tpu.memory_space<vmem>> -> memref<128xi32, #tpu.memory_space<vmem>>
          %dma_wait3A_63 = tpu.memref_slice %arg4[%multiple_of3A] : memref<800000xi32, #tpu.memory_space<hbm>> -> memref<128xi32, #tpu.memory_space<hbm>>
          %dma_wait3A_64 = arith.constant 0 : i32
          %dma_wait3A_65 = tpu.memref_slice %arg9[%run_scoped3A, %dma_wait3A_64] : memref<1x128xi32, #tpu.memory_space<vmem>> -> memref<1x128xi32, #tpu.memory_space<vmem>>
          %dma_wait3A_66 = tpu.memref_squeeze %dma_wait3A_65 : memref<1x128xi32, #tpu.memory_space<vmem>> -> memref<128xi32, #tpu.memory_space<vmem>>
          %dma_wait3A_67 = tpu.memref_slice %arg4[%multiple_of3A] : memref<800000xi32, #tpu.memory_space<hbm>> -> memref<128xi32, #tpu.memory_space<hbm>>
          tpu.wait_dma2 semaphore(%run_scoped3A_51 : memref<!tpu.dma_semaphore, #tpu.memory_space<semaphore_mem>>) src(%dma_wait3A_67 : memref<128xi32, #tpu.memory_space<hbm>>) dst(%dma_wait3A_66 : memref<128xi32, #tpu.memory_space<vmem>>)
          tpu.yield
        }) : () -> ()
        %dma_start3A = arith.constant 0 : i32
        %dma_start3A_28 = arith.constant 0 : i32
        %dma_start3A_29 = tpu.memref_slice %arg2[%dma_start3A, %dma_start3A_28] : memref<50000x64xf32, #tpu.memory_space<hbm>> -> memref<50000x64xf32, #tpu.memory_space<hbm>>
        tpu.enqueue_indirect_dma source(%dma_start3A_29 : memref<50000x64xf32, #tpu.memory_space<hbm>>) target(%arg10 : memref<128x64xf32, #tpu.memory_space<vmem>>) offsets(%arg8 : memref<128xi32, #tpu.memory_space<vmem>>) semaphore(%arg13 : memref<!tpu.dma_semaphore, #tpu.memory_space<semaphore_mem>>)
        %dma_start3A_30 = arith.constant 0 : i32
        %dma_start3A_31 = tpu.memref_slice %arg5[%multiple_of3A, %dma_start3A_30] : memref<800000x64xf32, #tpu.memory_space<hbm>> -> memref<128x64xf32, #tpu.memory_space<hbm>>
        %dma_start3A_32 = arith.constant 0 : i32
        %dma_start3A_33 = tpu.memref_slice %arg5[%multiple_of3A, %dma_start3A_32] : memref<800000x64xf32, #tpu.memory_space<hbm>> -> memref<128x64xf32, #tpu.memory_space<hbm>>
        tpu.enqueue_dma source(%dma_start3A_33 : memref<128x64xf32, #tpu.memory_space<hbm>>) target(%arg11 : memref<128x64xf32, #tpu.memory_space<vmem>>) target_semaphore(%arg14 : memref<!tpu.dma_semaphore, #tpu.memory_space<semaphore_mem>>)
        %scan3A_34 = arith.constant 0 : i32
        %scan3A_35 = arith.constant 8 : i32
        %scan3A_36 = arith.addi %scan3A_34, %scan3A_35 : i32
        %scan3A_37 = arith.constant 1 : i32
        scf.for %scan3A_51 = %scan3A_34 to %scan3A_36 step %scan3A_37  : i32 {
          %mul3A_52 = arith.constant 1 : i32
          %mul3A_53 = arith.muli %scan3A_51, %mul3A_52 : i32
          %add3A_54 = arith.constant 0 : i32
          %add3A_55 = arith.addi %add3A_54, %mul3A_53 : i32
          %mul3A_56 = arith.constant 16 : i32
          %mul3A_57 = arith.muli %add3A_55, %mul3A_56 : i32
          %get3A = arith.constant 0 : i32
          %get3A_58 = arith.index_cast %get3A : i32 to index
          %get3A_59 = arith.index_cast %mul3A_57 : i32 to index
          %get3A_60 = tpu.vector_load %arg9[%get3A_58, %get3A_59] {strides = array<i32>} : memref<1x128xi32, #tpu.memory_space<vmem>>, vector<1x16xi32>,
          %get3A_61 = vector.shape_cast %get3A_60 : vector<1x16xi32> to vector<16xi32>
          %sub3A = vector.broadcast %mul3A_0 : i32 to vector<16xi32>
          %sub3A_62 = arith.subi %get3A_61, %sub3A : vector<16xi32>
          %ge3A = arith.constant 0 : i32
          %ge3A_63 = vector.broadcast %ge3A : i32 to vector<16xi32>
          %ge3A_64 = arith.cmpi sge, %sub3A_62, %ge3A_63 : vector<16xi32>
          %lt3A_65 = arith.constant 25000 : i32
          %lt3A_66 = vector.broadcast %lt3A_65 : i32 to vector<16xi32>
          %lt3A_67 = arith.cmpi slt, %sub3A_62, %lt3A_66 : vector<16xi32>
          %and3A = arith.andi %ge3A_64, %lt3A_67 : vector<16xi1>
          %jit3A = arith.constant 25000 : i32
          %broadcast_in_dim3A = vector.broadcast %jit3A : i32 to vector<16xi32>
          %select_n3A = arith.select %and3A, %sub3A_62, %broadcast_in_dim3A : vector<16xi1>, vector<16xi32>
          %mul3A_68 = arith.constant 16 : i32
          %mul3A_69 = arith.muli %add3A_55, %mul3A_68 : i32
          %swap3A = arith.constant 0 : i32
          %swap3A_70 = arith.index_cast %swap3A : i32 to index
          %swap3A_71 = arith.index_cast %mul3A_69 : i32 to index
          %swap3A_72 = tpu.vector_load %arg9[%swap3A_70, %swap3A_71] {strides = array<i32>} : memref<1x128xi32, #tpu.memory_space<vmem>>, vector<1x16xi32>,
          %swap3A_73 = vector.shape_cast %swap3A_72 : vector<1x16xi32> to vector<16xi32>
          %swap3A_74 = vector.shape_cast %select_n3A : vector<16xi32> to vector<1x16xi32>
          tpu.vector_store %arg9[%swap3A_70, %swap3A_71], %swap3A_74 {strides = array<i32>} : memref<1x128xi32, #tpu.memory_space<vmem>>, vector<1x16xi32>,
        }
        %scan3A_38 = arith.constant 8 : i32
        %dma_wait3A = arith.constant 0 : i32
        %dma_wait3A_39 = arith.constant 0 : i32
        %dma_wait3A_40 = tpu.memref_slice %arg2[%dma_wait3A, %dma_wait3A_39] : memref<50000x64xf32, #tpu.memory_space<hbm>> -> memref<50000x64xf32, #tpu.memory_space<hbm>>
        tpu.wait_indirect_dma semaphore(%arg13 : memref<!tpu.dma_semaphore, #tpu.memory_space<semaphore_mem>>) src(%dma_wait3A_40 : memref<50000x64xf32, #tpu.memory_space<hbm>>) dst(%arg10 : memref<128x64xf32, #tpu.memory_space<vmem>>)
        %dma_wait3A_41 = arith.constant 0 : i32
        %dma_wait3A_42 = tpu.memref_slice %arg5[%multiple_of3A, %dma_wait3A_41] : memref<800000x64xf32, #tpu.memory_space<hbm>> -> memref<128x64xf32, #tpu.memory_space<hbm>>
        %dma_wait3A_43 = arith.constant 0 : i32
        %dma_wait3A_44 = tpu.memref_slice %arg5[%multiple_of3A, %dma_wait3A_43] : memref<800000x64xf32, #tpu.memory_space<hbm>> -> memref<128x64xf32, #tpu.memory_space<hbm>>
        tpu.wait_dma2 semaphore(%arg14 : memref<!tpu.dma_semaphore, #tpu.memory_space<semaphore_mem>>) src(%dma_wait3A_44 : memref<128x64xf32, #tpu.memory_space<hbm>>) dst(%arg11 : memref<128x64xf32, #tpu.memory_space<vmem>>)
        %scan3A_45 = arith.constant 0 : i32
        %scan3A_46 = arith.constant 128 : i32
        %scan3A_47 = arith.addi %scan3A_45, %scan3A_46 : i32
        %scan3A_48 = arith.constant 1 : i32
        scf.for %scan3A_51 = %scan3A_45 to %scan3A_47 step %scan3A_48  : i32 {
          %mul3A_52 = arith.constant 1 : i32
          %mul3A_53 = arith.muli %scan3A_51, %mul3A_52 : i32
          %add3A_54 = arith.constant 0 : i32
          %add3A_55 = arith.addi %add3A_54, %mul3A_53 : i32
          %get3A = arith.index_cast %add3A_55 : i32 to index
          %get3A_56 = arith.constant 0 : index
          %get3A_57 = tpu.vector_load %arg10[%get3A, %get3A_56] {strides = array<i32>} : memref<128x64xf32, #tpu.memory_space<vmem>>, vector<1x16xf32>,
          %get3A_58 = vector.shape_cast %get3A_57 : vector<1x16xf32> to vector<16xf32>
          %get3A_59 = arith.index_cast %add3A_55 : i32 to index
          %get3A_60 = arith.constant 0 : index
          %get3A_61 = tpu.vector_load %arg11[%get3A_59, %get3A_60] {strides = array<i32>} : memref<128x64xf32, #tpu.memory_space<vmem>>, vector<1x16xf32>,
          %get3A_62 = vector.shape_cast %get3A_61 : vector<1x16xf32> to vector<16xf32>
          %add3A_63 = arith.addf %get3A_58, %get3A_62 : vector<16xf32>
          %max3A = arith.constant 0.000000e+00 : f32
          %max3A_64 = vector.broadcast %max3A : f32 to vector<16xf32>
          %max3A_65 = arith.maximumf %add3A_63, %max3A_64 : vector<16xf32>
          %swap3A = arith.index_cast %add3A_55 : i32 to index
          %swap3A_66 = arith.constant 0 : index
          %swap3A_67 = tpu.vector_load %arg10[%swap3A, %swap3A_66] {strides = array<i32>} : memref<128x64xf32, #tpu.memory_space<vmem>>, vector<1x16xf32>,
          %swap3A_68 = vector.shape_cast %swap3A_67 : vector<1x16xf32> to vector<16xf32>
          %swap3A_69 = vector.shape_cast %max3A_65 : vector<16xf32> to vector<1x16xf32>
          tpu.vector_store %arg10[%swap3A, %swap3A_66], %swap3A_69 {strides = array<i32>} : memref<128x64xf32, #tpu.memory_space<vmem>>, vector<1x16xf32>,
          %get3A_70 = arith.index_cast %add3A_55 : i32 to index
          %get3A_71 = arith.constant 16 : index
          %get3A_72 = tpu.vector_load %arg10[%get3A_70, %get3A_71] {strides = array<i32>} : memref<128x64xf32, #tpu.memory_space<vmem>>, vector<1x16xf32>,
          %get3A_73 = vector.shape_cast %get3A_72 : vector<1x16xf32> to vector<16xf32>
          %get3A_74 = arith.index_cast %add3A_55 : i32 to index
          %get3A_75 = arith.constant 16 : index
          %get3A_76 = tpu.vector_load %arg11[%get3A_74, %get3A_75] {strides = array<i32>} : memref<128x64xf32, #tpu.memory_space<vmem>>, vector<1x16xf32>,
          %get3A_77 = vector.shape_cast %get3A_76 : vector<1x16xf32> to vector<16xf32>
          %add3A_78 = arith.addf %get3A_73, %get3A_77 : vector<16xf32>
          %max3A_79 = arith.constant 0.000000e+00 : f32
          %max3A_80 = vector.broadcast %max3A_79 : f32 to vector<16xf32>
          %max3A_81 = arith.maximumf %add3A_78, %max3A_80 : vector<16xf32>
          %swap3A_82 = arith.index_cast %add3A_55 : i32 to index
          %swap3A_83 = arith.constant 16 : index
          %swap3A_84 = tpu.vector_load %arg10[%swap3A_82, %swap3A_83] {strides = array<i32>} : memref<128x64xf32, #tpu.memory_space<vmem>>, vector<1x16xf32>,
          %swap3A_85 = vector.shape_cast %swap3A_84 : vector<1x16xf32> to vector<16xf32>
          %swap3A_86 = vector.shape_cast %max3A_81 : vector<16xf32> to vector<1x16xf32>
          tpu.vector_store %arg10[%swap3A_82, %swap3A_83], %swap3A_86 {strides = array<i32>} : memref<128x64xf32, #tpu.memory_space<vmem>>, vector<1x16xf32>,
          %get3A_87 = arith.index_cast %add3A_55 : i32 to index
          %get3A_88 = arith.constant 32 : index
          %get3A_89 = tpu.vector_load %arg10[%get3A_87, %get3A_88] {strides = array<i32>} : memref<128x64xf32, #tpu.memory_space<vmem>>, vector<1x16xf32>,
          %get3A_90 = vector.shape_cast %get3A_89 : vector<1x16xf32> to vector<16xf32>
          %get3A_91 = arith.index_cast %add3A_55 : i32 to index
          %get3A_92 = arith.constant 32 : index
          %get3A_93 = tpu.vector_load %arg11[%get3A_91, %get3A_92] {strides = array<i32>} : memref<128x64xf32, #tpu.memory_space<vmem>>, vector<1x16xf32>,
          %get3A_94 = vector.shape_cast %get3A_93 : vector<1x16xf32> to vector<16xf32>
          %add3A_95 = arith.addf %get3A_90, %get3A_94 : vector<16xf32>
          %max3A_96 = arith.constant 0.000000e+00 : f32
          %max3A_97 = vector.broadcast %max3A_96 : f32 to vector<16xf32>
          %max3A_98 = arith.maximumf %add3A_95, %max3A_97 : vector<16xf32>
          %swap3A_99 = arith.index_cast %add3A_55 : i32 to index
          %swap3A_100 = arith.constant 32 : index
          %swap3A_101 = tpu.vector_load %arg10[%swap3A_99, %swap3A_100] {strides = array<i32>} : memref<128x64xf32, #tpu.memory_space<vmem>>, vector<1x16xf32>,
          %swap3A_102 = vector.shape_cast %swap3A_101 : vector<1x16xf32> to vector<16xf32>
          %swap3A_103 = vector.shape_cast %max3A_98 : vector<16xf32> to vector<1x16xf32>
          tpu.vector_store %arg10[%swap3A_99, %swap3A_100], %swap3A_103 {strides = array<i32>} : memref<128x64xf32, #tpu.memory_space<vmem>>, vector<1x16xf32>,
          %get3A_104 = arith.index_cast %add3A_55 : i32 to index
          %get3A_105 = arith.constant 48 : index
          %get3A_106 = tpu.vector_load %arg10[%get3A_104, %get3A_105] {strides = array<i32>} : memref<128x64xf32, #tpu.memory_space<vmem>>, vector<1x16xf32>,
          %get3A_107 = vector.shape_cast %get3A_106 : vector<1x16xf32> to vector<16xf32>
          %get3A_108 = arith.index_cast %add3A_55 : i32 to index
          %get3A_109 = arith.constant 48 : index
          %get3A_110 = tpu.vector_load %arg11[%get3A_108, %get3A_109] {strides = array<i32>} : memref<128x64xf32, #tpu.memory_space<vmem>>, vector<1x16xf32>,
          %get3A_111 = vector.shape_cast %get3A_110 : vector<1x16xf32> to vector<16xf32>
          %add3A_112 = arith.addf %get3A_107, %get3A_111 : vector<16xf32>
          %max3A_113 = arith.constant 0.000000e+00 : f32
          %max3A_114 = vector.broadcast %max3A_113 : f32 to vector<16xf32>
          %max3A_115 = arith.maximumf %add3A_112, %max3A_114 : vector<16xf32>
          %swap3A_116 = arith.index_cast %add3A_55 : i32 to index
          %swap3A_117 = arith.constant 48 : index
          %swap3A_118 = tpu.vector_load %arg10[%swap3A_116, %swap3A_117] {strides = array<i32>} : memref<128x64xf32, #tpu.memory_space<vmem>>, vector<1x16xf32>,
          %swap3A_119 = vector.shape_cast %swap3A_118 : vector<1x16xf32> to vector<16xf32>
          %swap3A_120 = vector.shape_cast %max3A_115 : vector<16xf32> to vector<1x16xf32>
          tpu.vector_store %arg10[%swap3A_116, %swap3A_117], %swap3A_120 {strides = array<i32>} : memref<128x64xf32, #tpu.memory_space<vmem>>, vector<1x16xf32>,
        }
        %scan3A_49 = arith.constant 128 : i32
        %run_scoped3A_50 = arith.constant 0 : i32
        "tpu.region"() ({
          %run_scoped3A_51 = tpu.sem_alloc : memref<!tpu.dma_semaphore, #tpu.memory_space<semaphore_mem>>
          %dma_start3A_52 = arith.constant 0 : i32
          %dma_start3A_53 = tpu.memref_slice %arg9[%run_scoped3A_50, %dma_start3A_52] : memref<1x128xi32, #tpu.memory_space<vmem>> -> memref<1x128xi32, #tpu.memory_space<vmem>>
          %dma_start3A_54 = tpu.memref_squeeze %dma_start3A_53 : memref<1x128xi32, #tpu.memory_space<vmem>> -> memref<128xi32, #tpu.memory_space<vmem>>
          %dma_start3A_55 = arith.constant 0 : i32
          %dma_start3A_56 = arith.constant 0 : i32
          %dma_start3A_57 = tpu.memref_slice %arg12[%dma_start3A_55, %dma_start3A_56] : memref<25088x64xf32, #tpu.memory_space<vmem_shared>> -> memref<25088x64xf32, #tpu.memory_space<vmem_shared>>
          tpu.enqueue_indirect_dma source(%arg10 : memref<128x64xf32, #tpu.memory_space<vmem>>) target(%dma_start3A_57 : memref<25088x64xf32, #tpu.memory_space<vmem_shared>>) offsets(%dma_start3A_54 : memref<128xi32, #tpu.memory_space<vmem>>) semaphore(%run_scoped3A_51 : memref<!tpu.dma_semaphore, #tpu.memory_space<semaphore_mem>>) {add = true}
          %dma_wait3A_58 = arith.constant 0 : i32
          %dma_wait3A_59 = tpu.memref_slice %arg9[%run_scoped3A_50, %dma_wait3A_58] : memref<1x128xi32, #tpu.memory_space<vmem>> -> memref<1x128xi32, #tpu.memory_space<vmem>>
          %dma_wait3A_60 = tpu.memref_squeeze %dma_wait3A_59 : memref<1x128xi32, #tpu.memory_space<vmem>> -> memref<128xi32, #tpu.memory_space<vmem>>
          %dma_wait3A_61 = arith.constant 0 : i32
          %dma_wait3A_62 = arith.constant 0 : i32
          %dma_wait3A_63 = tpu.memref_slice %arg12[%dma_wait3A_61, %dma_wait3A_62] : memref<25088x64xf32, #tpu.memory_space<vmem_shared>> -> memref<25088x64xf32, #tpu.memory_space<vmem_shared>>
          tpu.wait_indirect_dma semaphore(%run_scoped3A_51 : memref<!tpu.dma_semaphore, #tpu.memory_space<semaphore_mem>>) src(%arg10 : memref<128x64xf32, #tpu.memory_space<vmem>>) dst(%dma_wait3A_63 : memref<25088x64xf32, #tpu.memory_space<vmem_shared>>)
          tpu.yield
        }) : () -> ()
      } else {
      }
    }
    %scan3A_6 = arith.constant 391 : i32
    %barrier3A_7 = arith.constant 0 : index
    tpu.barrier barrier_id(%barrier3A_7)
    %lt3A = arith.constant 15 : i32
    %lt3A_8 = arith.cmpi slt, %arg1, %lt3A : i32
    %convert_element_type3A = arith.extui %lt3A_8 : i1 to i32
    %cond3A = arith.constant 0 : i32
    %cond3A_9 = arith.cmpi ne, %convert_element_type3A, %cond3A : i32
    scf.if %cond3A_9 {
      %mul3A_14 = arith.constant 1568 : i32
      %mul3A_15 = arith.muli %arg1, %mul3A_14 : i32
      %mul3A_16 = arith.constant 1568 : i32
      %mul3A_17 = arith.muli %arg1, %mul3A_16 : i32
      %add3A = arith.addi %mul3A_0, %mul3A_17 : i32
      "tpu.region"() ({
        %run_scoped3A = tpu.sem_alloc : memref<!tpu.dma_semaphore, #tpu.memory_space<semaphore_mem>>
        %dma_start3A = arith.constant 0 : i32
        %dma_start3A_18 = tpu.memref_slice %arg7[%add3A, %dma_start3A] : memref<50000x64xf32, #tpu.memory_space<hbm>> -> memref<1568x64xf32, #tpu.memory_space<hbm>>
        %dma_start3A_19 = arith.constant 0 : i32
        %dma_start3A_20 = tpu.memref_slice %arg12[%mul3A_15, %dma_start3A_19] : memref<25088x64xf32, #tpu.memory_space<vmem_shared>> -> memref<1568x64xf32, #tpu.memory_space<vmem_shared>>
        tpu.enqueue_dma source(%dma_start3A_20 : memref<1568x64xf32, #tpu.memory_space<vmem_shared>>) target(%dma_start3A_18 : memref<1568x64xf32, #tpu.memory_space<hbm>>) target_semaphore(%run_scoped3A : memref<!tpu.dma_semaphore, #tpu.memory_space<semaphore_mem>>)
        %dma_wait3A = arith.constant 0 : i32
        %dma_wait3A_21 = tpu.memref_slice %arg7[%add3A, %dma_wait3A] : memref<50000x64xf32, #tpu.memory_space<hbm>> -> memref<1568x64xf32, #tpu.memory_space<hbm>>
        %dma_wait3A_22 = arith.constant 0 : i32
        %dma_wait3A_23 = tpu.memref_slice %arg12[%mul3A_15, %dma_wait3A_22] : memref<25088x64xf32, #tpu.memory_space<vmem_shared>> -> memref<1568x64xf32, #tpu.memory_space<vmem_shared>>
        tpu.wait_dma2 semaphore(%run_scoped3A : memref<!tpu.dma_semaphore, #tpu.memory_space<semaphore_mem>>) src(%dma_wait3A_23 : memref<1568x64xf32, #tpu.memory_space<vmem_shared>>) dst(%dma_wait3A_21 : memref<1568x64xf32, #tpu.memory_space<hbm>>)
        tpu.yield
      }) : () -> ()
    } else {
    }
    %eq3A = arith.constant 15 : i32
    %eq3A_10 = arith.cmpi eq, %arg1, %eq3A : i32
    %convert_element_type3A_11 = arith.extui %eq3A_10 : i1 to i32
    %cond3A_12 = arith.constant 0 : i32
    %cond3A_13 = arith.cmpi ne, %convert_element_type3A_11, %cond3A_12 : i32
    scf.if %cond3A_13 {
      %add3A = arith.constant 23520 : i32
      %add3A_14 = arith.addi %mul3A_0, %add3A : i32
      "tpu.region"() ({
        %run_scoped3A = tpu.sem_alloc : memref<!tpu.dma_semaphore, #tpu.memory_space<semaphore_mem>>
        %dma_start3A = arith.constant 0 : i32
        %dma_start3A_15 = tpu.memref_slice %arg7[%add3A_14, %dma_start3A] : memref<50000x64xf32, #tpu.memory_space<hbm>> -> memref<1480x64xf32, #tpu.memory_space<hbm>>
        %dma_start3A_16 = arith.constant 23520 : i32
        %dma_start3A_17 = arith.constant 0 : i32
        %dma_start3A_18 = tpu.memref_slice %arg12[%dma_start3A_16, %dma_start3A_17] : memref<25088x64xf32, #tpu.memory_space<vmem_shared>> -> memref<1480x64xf32, #tpu.memory_space<vmem_shared>>
        tpu.enqueue_dma source(%dma_start3A_18 : memref<1480x64xf32, #tpu.memory_space<vmem_shared>>) target(%dma_start3A_15 : memref<1480x64xf32, #tpu.memory_space<hbm>>) target_semaphore(%run_scoped3A : memref<!tpu.dma_semaphore, #tpu.memory_space<semaphore_mem>>)
        %dma_wait3A = arith.constant 0 : i32
        %dma_wait3A_19 = tpu.memref_slice %arg7[%add3A_14, %dma_wait3A] : memref<50000x64xf32, #tpu.memory_space<hbm>> -> memref<1480x64xf32, #tpu.memory_space<hbm>>
        %dma_wait3A_20 = arith.constant 23520 : i32
        %dma_wait3A_21 = arith.constant 0 : i32
        %dma_wait3A_22 = tpu.memref_slice %arg12[%dma_wait3A_20, %dma_wait3A_21] : memref<25088x64xf32, #tpu.memory_space<vmem_shared>> -> memref<1480x64xf32, #tpu.memory_space<vmem_shared>>
        tpu.wait_dma2 semaphore(%run_scoped3A : memref<!tpu.dma_semaphore, #tpu.memory_space<semaphore_mem>>) src(%dma_wait3A_22 : memref<1480x64xf32, #tpu.memory_space<vmem_shared>>) dst(%dma_wait3A_19 : memref<1480x64xf32, #tpu.memory_space<hbm>>)
        tpu.yield
      }) : () -> ()
    } else {
    }
    return
  }
}

module attributes {stable_mosaic.version = 14 : i64} {
  func.func @_emlp_body(%arg0: i32, %arg1: memref<2000x16xf32, #tpu.memory_space<vmem>>, %arg2: memref<16x64xf32, #tpu.memory_space<vmem>>, %arg3: memref<1x64xf32, #tpu.memory_space<vmem>>, %arg4: memref<64x64xf32, #tpu.memory_space<vmem>>, %arg5: memref<1x64xf32, #tpu.memory_space<vmem>>, %arg6: memref<2000x64xf32, #tpu.memory_space<vmem>>) attributes {dimension_semantics = [#tpu.dimension_semantics<arbitrary>], iteration_bounds = array<i64: 400>, scalar_prefetch = 0 : i64, scratch_operands = 0 : i64, tpu.core_type = #tpu.core_type<tc>, window_params = [{transform_indices = @transform_0, window_bounds = array<i64: 2000, 16>}, {pipeline_mode = #tpu.pipeline_mode<synchronous>, transform_indices = @transform_1, window_bounds = array<i64: 16, 64>}, {pipeline_mode = #tpu.pipeline_mode<synchronous>, transform_indices = @transform_2, window_bounds = array<i64: 1, 64>}, {pipeline_mode = #tpu.pipeline_mode<synchronous>, transform_indices = @transform_3, window_bounds = array<i64: 64, 64>}, {pipeline_mode = #tpu.pipeline_mode<synchronous>, transform_indices = @transform_4, window_bounds = array<i64: 1, 64>}, {transform_indices = @transform_5, window_bounds = array<i64: 2000, 64>}]} {
    %get3A = arith.constant 0 : index
    %get3A_0 = arith.constant 0 : index
    %get3A_1 = vector.load %arg1[%get3A, %get3A_0] : memref<2000x16xf32, #tpu.memory_space<vmem>>, vector<2000x16xf32>
    %get3A_2 = arith.constant 0 : index
    %get3A_3 = arith.constant 0 : index
    %get3A_4 = vector.load %arg2[%get3A_2, %get3A_3] : memref<16x64xf32, #tpu.memory_space<vmem>>, vector<16x64xf32>
    %dot_general3A = arith.constant dense<0.000000e+00> : vector<2000x64xf32>
    %dot_general3A_5 = tpu.matmul %get3A_1, %get3A_4, %dot_general3A {dimension_numbers = #tpu.dot_dimension_numbers<[1], [0], [0], [1], [0, 0, 1, 1], [], []>, precision = #tpu.contract_precision<fp32>, transpose_lhs_hint = false} : vector<2000x16xf32>, vector<16x64xf32>, vector<2000x64xf32> -> vector<2000x64xf32>
    %get3A_6 = arith.constant 0 : index
    %get3A_7 = arith.constant 0 : index
    %get3A_8 = vector.load %arg3[%get3A_6, %get3A_7] : memref<1x64xf32, #tpu.memory_space<vmem>>, vector<1x64xf32>
    %add3A = vector.broadcast %get3A_8 : vector<1x64xf32> to vector<2000x64xf32>
    %add3A_9 = arith.addf %dot_general3A_5, %add3A : vector<2000x64xf32>
    %max3A = arith.constant 0.000000e+00 : f32
    %max3A_10 = vector.broadcast %max3A : f32 to vector<2000x64xf32>
    %max3A_11 = arith.maximumf %add3A_9, %max3A_10 : vector<2000x64xf32>
    %get3A_12 = arith.constant 0 : index
    %get3A_13 = arith.constant 0 : index
    %get3A_14 = vector.load %arg4[%get3A_12, %get3A_13] : memref<64x64xf32, #tpu.memory_space<vmem>>, vector<64x64xf32>
    %dot_general3A_15 = arith.constant dense<0.000000e+00> : vector<2000x64xf32>
    %dot_general3A_16 = tpu.matmul %max3A_11, %get3A_14, %dot_general3A_15 {dimension_numbers = #tpu.dot_dimension_numbers<[1], [0], [0], [1], [0, 0, 1, 1], [], []>, precision = #tpu.contract_precision<fp32>, transpose_lhs_hint = false} : vector<2000x64xf32>, vector<64x64xf32>, vector<2000x64xf32> -> vector<2000x64xf32>
    %get3A_17 = arith.constant 0 : index
    %get3A_18 = arith.constant 0 : index
    %get3A_19 = vector.load %arg5[%get3A_17, %get3A_18] : memref<1x64xf32, #tpu.memory_space<vmem>>, vector<1x64xf32>
    %add3A_20 = vector.broadcast %get3A_19 : vector<1x64xf32> to vector<2000x64xf32>
    %add3A_21 = arith.addf %dot_general3A_16, %add3A_20 : vector<2000x64xf32>
    %swap3A = arith.constant 0 : index
    %swap3A_22 = arith.constant 0 : index
    %swap3A_23 = vector.load %arg6[%swap3A, %swap3A_22] : memref<2000x64xf32, #tpu.memory_space<vmem>>, vector<2000x64xf32>
    tpu.vector_store %arg6[%swap3A, %swap3A_22], %add3A_21 {strides = array<i32>} : memref<2000x64xf32, #tpu.memory_space<vmem>>, vector<2000x64xf32>,
    return
  }
  func.func @transform_0(%arg0: i32) -> (i32, i32) {
    %c0_i32 = arith.constant 0 : i32
    %c0_i32_0 = arith.constant 0 : i32
    return %arg0, %c0_i32 : i32, i32
  }
  func.func @transform_1(%arg0: i32) -> (i32, i32) {
    %c0_i32 = arith.constant 0 : i32
    %c0_i32_0 = arith.constant 0 : i32
    %c0_i32_1 = arith.constant 0 : i32
    return %c0_i32, %c0_i32_0 : i32, i32
  }
  func.func @transform_2(%arg0: i32) -> (i32, i32) {
    %c0_i32 = arith.constant 0 : i32
    %c0_i32_0 = arith.constant 0 : i32
    %c0_i32_1 = arith.constant 0 : i32
    return %c0_i32, %c0_i32_0 : i32, i32
  }
  func.func @transform_3(%arg0: i32) -> (i32, i32) {
    %c0_i32 = arith.constant 0 : i32
    %c0_i32_0 = arith.constant 0 : i32
    %c0_i32_1 = arith.constant 0 : i32
    return %c0_i32, %c0_i32_0 : i32, i32
  }
  func.func @transform_4(%arg0: i32) -> (i32, i32) {
    %c0_i32 = arith.constant 0 : i32
    %c0_i32_0 = arith.constant 0 : i32
    %c0_i32_1 = arith.constant 0 : i32
    return %c0_i32, %c0_i32_0 : i32, i32
  }
  func.func @transform_5(%arg0: i32) -> (i32, i32) {
    %c0_i32 = arith.constant 0 : i32
    %c0_i32_0 = arith.constant 0 : i32
    return %arg0, %c0_i32 : i32, i32
  }
}

module attributes {stable_mosaic.version = 14 : i64} {
  func.func @_update_body(%arg0: i32, %arg1: memref<2000x64xf32, #tpu.memory_space<vmem>>, %arg2: memref<2000x64xf32, #tpu.memory_space<vmem>>, %arg3: memref<2000x64xf32, #tpu.memory_space<vmem>>) attributes {dimension_semantics = [#tpu.dimension_semantics<arbitrary>], iteration_bounds = array<i64: 25>, scalar_prefetch = 0 : i64, scratch_operands = 0 : i64, tpu.core_type = #tpu.core_type<tc>, window_params = [{transform_indices = @transform_0, window_bounds = array<i64: 2000, 64>}, {transform_indices = @transform_1, window_bounds = array<i64: 2000, 64>}, {transform_indices = @transform_2, window_bounds = array<i64: 2000, 64>}]} {
    %get3A = arith.constant 0 : index
    %get3A_0 = arith.constant 0 : index
    %get3A_1 = vector.load %arg1[%get3A, %get3A_0] : memref<2000x64xf32, #tpu.memory_space<vmem>>, vector<2000x64xf32>
    %get3A_2 = arith.constant 0 : index
    %get3A_3 = arith.constant 0 : index
    %get3A_4 = vector.load %arg2[%get3A_2, %get3A_3] : memref<2000x64xf32, #tpu.memory_space<vmem>>, vector<2000x64xf32>
    %add3A = arith.addf %get3A_1, %get3A_4 : vector<2000x64xf32>
    %max3A = arith.constant 0.000000e+00 : f32
    %max3A_5 = vector.broadcast %max3A : f32 to vector<2000x64xf32>
    %max3A_6 = arith.maximumf %add3A, %max3A_5 : vector<2000x64xf32>
    %swap3A = arith.constant 0 : index
    %swap3A_7 = arith.constant 0 : index
    %swap3A_8 = vector.load %arg3[%swap3A, %swap3A_7] : memref<2000x64xf32, #tpu.memory_space<vmem>>, vector<2000x64xf32>
    tpu.vector_store %arg3[%swap3A, %swap3A_7], %max3A_6 {strides = array<i32>} : memref<2000x64xf32, #tpu.memory_space<vmem>>, vector<2000x64xf32>,
    return
  }
  func.func @transform_0(%arg0: i32) -> (i32, i32) {
    %c0_i32 = arith.constant 0 : i32
    %c0_i32_0 = arith.constant 0 : i32
    return %arg0, %c0_i32 : i32, i32
  }
  func.func @transform_1(%arg0: i32) -> (i32, i32) {
    %c0_i32 = arith.constant 0 : i32
    %c0_i32_0 = arith.constant 0 : i32
    return %arg0, %c0_i32 : i32, i32
  }
  func.func @transform_2(%arg0: i32) -> (i32, i32) {
    %c0_i32 = arith.constant 0 : i32
    %c0_i32_0 = arith.constant 0 : i32
    return %arg0, %c0_i32 : i32, i32
  }
}

module attributes {stable_mosaic.version = 14 : i64} {
  func.func @_pool_body(%arg0: i32, %arg1: memref<2000x64xf32, #tpu.memory_space<vmem>>, %arg2: memref<1x1x2000xi32, #tpu.memory_space<vmem>>, %arg3: memref<64x1xf32, #tpu.memory_space<vmem>>, %arg4: memref<1x1xf32, #tpu.memory_space<vmem>>, %arg5: memref<64x1xf32, #tpu.memory_space<vmem>>, %arg6: memref<64x64xf32, #tpu.memory_space<vmem>>) attributes {dimension_semantics = [#tpu.dimension_semantics<arbitrary>], iteration_bounds = array<i64: 25>, scalar_prefetch = 0 : i64, scratch_operands = 1 : i64, tpu.core_type = #tpu.core_type<tc>, window_params = [{transform_indices = @transform_0, window_bounds = array<i64: 2000, 64>}, {transform_indices = @transform_1, window_bounds = array<i64: 1, 1, 2000>}, {pipeline_mode = #tpu.pipeline_mode<synchronous>, transform_indices = @transform_2, window_bounds = array<i64: 64, 1>}, {pipeline_mode = #tpu.pipeline_mode<synchronous>, transform_indices = @transform_3, window_bounds = array<i64: 1, 1>}, {pipeline_mode = #tpu.pipeline_mode<synchronous>, transform_indices = @transform_4, window_bounds = array<i64: 64, 1>}]} {
    %eq3A = arith.constant 0 : i32
    %eq3A_0 = arith.cmpi eq, %arg0, %eq3A : i32
    %convert_element_type3A = arith.extui %eq3A_0 : i1 to i32
    %cond3A = arith.constant 0 : i32
    %cond3A_1 = arith.cmpi ne, %convert_element_type3A, %cond3A : i32
    scf.if %cond3A_1 {
      %broadcast_in_dim3A = arith.constant 0.000000e+00 : f32
      %broadcast_in_dim3A_24 = vector.broadcast %broadcast_in_dim3A : f32 to vector<64x64xf32>
      %swap3A_25 = arith.constant 0 : index
      %swap3A_26 = arith.constant 0 : index
      %swap3A_27 = vector.load %arg6[%swap3A_25, %swap3A_26] : memref<64x64xf32, #tpu.memory_space<vmem>>, vector<64x64xf32>
      tpu.vector_store %arg6[%swap3A_25, %swap3A_26], %broadcast_in_dim3A_24 {strides = array<i32>} : memref<64x64xf32, #tpu.memory_space<vmem>>, vector<64x64xf32>,
    } else {
    }
    %get3A = arith.constant 0 : index
    %get3A_2 = arith.constant 0 : index
    %get3A_3 = arith.constant 0 : index
    %get3A_4 = vector.load %arg2[%get3A, %get3A_2, %get3A_3] : memref<1x1x2000xi32, #tpu.memory_space<vmem>>, vector<1x1x2000xi32>
    %get3A_5 = vector.shape_cast %get3A_4 : vector<1x1x2000xi32> to vector<1x2000xi32>
    %iota3A = tpu.iota {dimensions = array<i32: 0>} : vector<64x2000xi32>
    %eq3A_6 = vector.broadcast %get3A_5 : vector<1x2000xi32> to vector<64x2000xi32>
    %eq3A_7 = arith.cmpi eq, %iota3A, %eq3A_6 : vector<64x2000xi32>
    %convert_element_type3A_8 = arith.extui %eq3A_7 : vector<64x2000xi1> to vector<64x2000xi32>
    %convert_element_type3A_9 = arith.sitofp %convert_element_type3A_8 : vector<64x2000xi32> to vector<64x2000xf32>
    %get3A_10 = arith.constant 0 : index
    %get3A_11 = arith.constant 0 : index
    %get3A_12 = vector.load %arg6[%get3A_10, %get3A_11] : memref<64x64xf32, #tpu.memory_space<vmem>>, vector<64x64xf32>
    %get3A_13 = arith.constant 0 : index
    %get3A_14 = arith.constant 0 : index
    %get3A_15 = vector.load %arg1[%get3A_13, %get3A_14] : memref<2000x64xf32, #tpu.memory_space<vmem>>, vector<2000x64xf32>
    %dot_general3A = arith.constant dense<0.000000e+00> : vector<64x64xf32>
    %dot_general3A_16 = tpu.matmul %convert_element_type3A_9, %get3A_15, %dot_general3A {dimension_numbers = #tpu.dot_dimension_numbers<[1], [0], [0], [1], [0, 0, 1, 1], [], []>, precision = #tpu.contract_precision<fp32>, transpose_lhs_hint = false} : vector<64x2000xf32>, vector<2000x64xf32>, vector<64x64xf32> -> vector<64x64xf32>
    %add3A = arith.addf %get3A_12, %dot_general3A_16 : vector<64x64xf32>
    %swap3A = arith.constant 0 : index
    %swap3A_17 = arith.constant 0 : index
    %swap3A_18 = vector.load %arg6[%swap3A, %swap3A_17] : memref<64x64xf32, #tpu.memory_space<vmem>>, vector<64x64xf32>
    tpu.vector_store %arg6[%swap3A, %swap3A_17], %add3A {strides = array<i32>} : memref<64x64xf32, #tpu.memory_space<vmem>>, vector<64x64xf32>,
    %eq3A_19 = arith.constant 24 : i32
    %eq3A_20 = arith.cmpi eq, %arg0, %eq3A_19 : i32
    %convert_element_type3A_21 = arith.extui %eq3A_20 : i1 to i32
    %cond3A_22 = arith.constant 0 : i32
    %cond3A_23 = arith.cmpi ne, %convert_element_type3A_21, %cond3A_22 : i32
    scf.if %cond3A_23 {
      %get3A_24 = arith.constant 0 : index
      %get3A_25 = arith.constant 0 : index
      %get3A_26 = vector.load %arg6[%get3A_24, %get3A_25] : memref<64x64xf32, #tpu.memory_space<vmem>>, vector<64x64xf32>
      %get3A_27 = arith.constant 0 : index
      %get3A_28 = arith.constant 0 : index
      %get3A_29 = vector.load %arg3[%get3A_27, %get3A_28] : memref<64x1xf32, #tpu.memory_space<vmem>>, vector<64x1xf32>
      %dot_general3A_30 = arith.constant dense<0.000000e+00> : vector<64x1xf32>
      %dot_general3A_31 = tpu.matmul %get3A_26, %get3A_29, %dot_general3A_30 {dimension_numbers = #tpu.dot_dimension_numbers<[1], [0], [0], [1], [0, 0, 1, 1], [], []>, precision = #tpu.contract_precision<fp32>, transpose_lhs_hint = false} : vector<64x64xf32>, vector<64x1xf32>, vector<64x1xf32> -> vector<64x1xf32>
      %get3A_32 = arith.constant 0 : index
      %get3A_33 = arith.constant 0 : index
      %get3A_34 = vector.load %arg4[%get3A_32, %get3A_33] : memref<1x1xf32, #tpu.memory_space<vmem>>, vector<1x1xf32>
      %add3A_35 = vector.broadcast %get3A_34 : vector<1x1xf32> to vector<64x1xf32>
      %add3A_36 = arith.addf %dot_general3A_31, %add3A_35 : vector<64x1xf32>
      %swap3A_37 = arith.constant 0 : index
      %swap3A_38 = arith.constant 0 : index
      %swap3A_39 = vector.load %arg5[%swap3A_37, %swap3A_38] : memref<64x1xf32, #tpu.memory_space<vmem>>, vector<64x1xf32>
      tpu.vector_store %arg5[%swap3A_37, %swap3A_38], %add3A_36 {strides = array<i32>} : memref<64x1xf32, #tpu.memory_space<vmem>>, vector<64x1xf32>,
    } else {
    }
    return
  }
  func.func @transform_0(%arg0: i32) -> (i32, i32) {
    %c0_i32 = arith.constant 0 : i32
    %c0_i32_0 = arith.constant 0 : i32
    return %arg0, %c0_i32 : i32, i32
  }
  func.func @transform_1(%arg0: i32) -> (i32, i32, i32) {
    %c0_i32 = arith.constant 0 : i32
    %c0_i32_0 = arith.constant 0 : i32
    %c0_i32_1 = arith.constant 0 : i32
    return %arg0, %c0_i32, %c0_i32_0 : i32, i32, i32
  }
  func.func @transform_2(%arg0: i32) -> (i32, i32) {
    %c0_i32 = arith.constant 0 : i32
    %c0_i32_0 = arith.constant 0 : i32
    %c0_i32_1 = arith.constant 0 : i32
    return %c0_i32, %c0_i32_0 : i32, i32
  }
  func.func @transform_3(%arg0: i32) -> (i32, i32) {
    %c0_i32 = arith.constant 0 : i32
    %c0_i32_0 = arith.constant 0 : i32
    %c0_i32_1 = arith.constant 0 : i32
    return %c0_i32, %c0_i32_0 : i32, i32
  }
  func.func @transform_4(%arg0: i32) -> (i32, i32) {
    %c0_i32 = arith.constant 0 : i32
    %c0_i32_0 = arith.constant 0 : i32
    %c0_i32_1 = arith.constant 0 : i32
    return %c0_i32, %c0_i32_0 : i32, i32
  }
}

</mosaic_0001>

<sc_bundles>
// kernel: kernel.12.cloned.1.call-start
scs
__scs_entry_jumppad:
0x0: {  	(pc) =	sbr.rel $0x88, $3  }
0x1: {  	(tag) =	ssettag $0x0;
	lr =	simm.s32 $0x1  }
0x2: {  	[smem:$0x3F8F] =	sst lr;
	_ =	strace $0xD0000000  }
0x3: {  	_ = 	snop  }
0x4: {  	_ = 	snop  }
0x5: {  	_ = 	snop  }
0x6: {  	_ = 	snop  }
0x7: {  	_ = 	snop  }
__scs_overlays_trampoline_lowered:
0x8: {  	[smem:$0x3F9E] =	sst s0  }
0x9: {  	[smem:$0x3F9F] =	sst s1  }
0xa: {  	[smem:$0x3FA0] =	sst s2  }
0xb: {  	[smem:$0x3FA1] =	sst s3  }
0xc: {  	[smem:$0x3FA2] =	sst s4  }
0xd: {  	[smem:$0x3FA3] =	sst s5  }
0xe: {  	[smem:$0x3FA4] =	sst s6  }
0xf: {  	[smem:$0x3FA5] =	sst s7  }
0x10: {  	[smem:$0x3FA6] =	sst s8  }
0x11: {  	[smem:$0x3FA7] =	sst s9;
	s0 =	simm.s32 @!p0 $0x0  }
0x12: {  	s1 =	sld [smem:$0x3F8D];
	s0 =	simm.s32 @p0 $0x1  }
0x13: {  	[smem:$0x3FA8] =	sst s0;
	s0 =	simm.s32 @!p1 $0x0  }
0x14: {  	s2 =	sld [smem:$0x3F8C];
	s0 =	simm.s32 @p1 $0x1  }
0x15: {  	[smem:$0x3FA9] =	sst s0;
	s0 =	simm.s32 @!p2 $0x0  }
0x16: {  	s3 =	sld [smem:$0x3FDB];
	s0 =	simm.s32 @p2 $0x1  }
0x17: {  	s4 =	simm.s32 $0x1BF5;
	[smem:$0x3FAB] =	sst s0  }
0x18: {  	s0 =	sld [smem:$0x3F8E];
	_ =	swait.ge [sflag:s4], $0x0  }
0x19: {  	s7 =	sld [smem:$0x3F8F]  }
0x1a: {  	s8 =	sadd.s32 $0xFFFFE003, lr  }
0x1b: {  	s9 =	sadd.s32 $0xFFFFFEF7, lr;
	s5 =	simm.s32 $0xFFFFFFFF;
	p2 =	slt.u32 s8, $0xFFFFF086  }
0x1c: {  	p1 =	slt.u32 s9, $0xF7A;
	s5 =	simm.s32 @!p2 $0x0  }
0x1d: {  	s5 =	simm.s32 @p1 $0x1;
	p0 =	seq.s32 s7, s2  }
0x1e: {  	s7 =	smul.u32 @!p0 $0xF7A, s2;
	p2 =	seq.s32 @!p0 s5, $0x0  }
0x1f: {  	s9 =	smul.u32 $0xF7A, s1;
	s8 =	simm.s32 @!p0 $0x1BF5;
	p2 =	por !p2, p0  }
0x20: {  	[sflag:s8] =	ssyncset.s32 @!p0 $0xFFFFF086;
	s6 =	sadd.s32 @!p0 s3, s7;
	s7 =	simm.s32 @!p0 $0x108  }
0x21: {  	s3 =	sadd.s32 s3, s9;
	s6 =	sadd.s32 @!p0 $0x88, s6;
	s7 =	simm.s32 @p2 $0x1082  }
0x22: {  	[simem:s7], [sflag:s8] =	dma.local @!p0 [hbm:s6], $0xF7A  }
0x23: {  	s9 =	sor.u32 $0xD0000000, s2;
	s6 =	simm.s32 $0x108;
	_ =	swait.ge @!p0 [sflag:s8], $0x0  }
0x24: {  	s3 =	sadd.s32 $0x88, s3;
	s6 =	simm.s32 @!p1 $0x1082;
	[sflag:s4] =	ssyncset.s32 $0xFFFFF086  }
0x25: {  	[simem:s6], [sflag:s4] =	dma.local [hbm:s3], $0xF7A  }
0x26: {  	[smem:$0x3F8F] =	sst s1;
	(tag) =	ssettag s2;
	_ =	strace s9  }
0x27: {  	s1 =	sld [smem:$0x3F9F]  }
0x28: {  	s2 =	sld [smem:$0x3FA0]  }
0x29: {  	s4 =	sld [smem:$0x3FA2]  }
0x2a: {  	p0 =	seq.s32 s5, $0x0;
	s5 =	sld [smem:$0x3FA3]  }
0x2b: {  	s6 =	sld [smem:$0x3FA4]  }
0x2c: {  	s7 =	sld [smem:$0x3FA5]  }
0x2d: {  	s3 =	simm.s32 $0x108;
	s8 =	sld [smem:$0x3FA6]  }
0x2e: {  	s3 =	simm.s32 @!p0 $0x1082;
	s9 =	sld [smem:$0x3FA7]  }
0x2f: {  	lr =	sadd.s32 s0, s3;
	s0 =	sld [smem:$0x3F9E]  }
0x30: {  	s3 =	sld [smem:$0x3FA1]  }
0x31: {  	[smem:$0x3FAA] =	sst s10  }
0x32: {  	s10 =	sld [smem:$0x3FA8];
	_ =	sdelay $0x3  }
0x33: {  	p0 =	seq.s32 s10, $0x1;
	s10 =	sld [smem:$0x3FAA];
	_ =	sdelay $0x3  }
0x34: {  	[smem:$0x3FAA] =	sst s10  }
0x35: {  	s10 =	sld [smem:$0x3FA9];
	_ =	sdelay $0x3  }
0x36: {  	p1 =	seq.s32 s10, $0x1;
	s10 =	sld [smem:$0x3FAA];
	_ =	sdelay $0x3  }
0x37: {  	[smem:$0x3FAA] =	sst s10  }
0x38: {  	s10 =	sld [smem:$0x3FAB]  }
0x39: {  	_ = 	snop;
	(pc) =	sbr.ind lr, $3  }
0x3a: {  	_ = 	snop  }
0x3b: {  	_ = 	snop  }
0x3c: {  	p2 =	seq.s32 s10, $0x1;
	s10 =	sld [smem:$0x3FAA]  }
0x3d: {  	_ =	shalt  }
0x3e: {  	_ =	shalt  }
0x3f: {  	_ =	shalt  }
0x40: {  	_ =	shalt  }
0x41: {  	_ =	shalt  }
0x42: {  	_ =	shalt  }
0x43: {  	_ =	shalt  }
0x44: {  	_ =	shalt  }
0x45: {  	_ =	shalt  }
0x46: {  	_ =	shalt  }
0x47: {  	_ =	shalt  }
0x48: {  	_ =	shalt  }
0x49: {  	_ =	shalt  }
0x4a: {  	_ =	shalt  }
0x4b: {  	_ =	shalt  }
0x4c: {  	_ =	shalt  }
0x4d: {  	_ =	shalt  }
0x4e: {  	_ =	shalt  }
0x4f: {  	_ =	shalt  }
0x50: {  	_ =	shalt  }
0x51: {  	_ =	shalt  }
0x52: {  	_ =	shalt  }
0x53: {  	_ =	shalt  }
0x54: {  	_ =	shalt  }
0x55: {  	_ =	shalt  }
0x56: {  	_ =	shalt  }
0x57: {  	_ =	shalt  }
0x58: {  	_ =	shalt  }
0x59: {  	_ =	shalt  }
0x5a: {  	_ =	shalt  }
0x5b: {  	_ =	shalt  }
0x5c: {  	_ =	shalt  }
0x5d: {  	_ =	shalt  }
0x5e: {  	_ =	shalt  }
0x5f: {  	_ =	shalt  }
0x60: {  	_ =	shalt  }
0x61: {  	_ =	shalt  }
0x62: {  	_ =	shalt  }
0x63: {  	_ =	shalt  }
0x64: {  	_ =	shalt  }
0x65: {  	_ =	shalt  }
0x66: {  	_ =	shalt  }
0x67: {  	_ =	shalt  }
0x68: {  	_ =	shalt  }
0x69: {  	_ =	shalt  }
0x6a: {  	_ =	shalt  }
0x6b: {  	_ =	shalt  }
0x6c: {  	_ =	shalt  }
0x6d: {  	_ =	shalt  }
0x6e: {  	_ =	shalt  }
0x6f: {  	_ =	shalt  }
0x70: {  	_ =	shalt  }
0x71: {  	_ =	shalt  }
0x72: {  	_ =	shalt  }
0x73: {  	_ =	shalt  }
0x74: {  	_ =	shalt  }
0x75: {  	_ =	shalt  }
0x76: {  	_ =	shalt  }
0x77: {  	_ =	shalt  }
0x78: {  	_ =	shalt  }
0x79: {  	_ =	shalt  }
0x7a: {  	_ =	shalt  }
0x7b: {  	_ =	shalt  }
0x7c: {  	_ =	shalt  }
0x7d: {  	_ =	shalt  }
0x7e: {  	_ =	shalt  }
0x7f: {  	_ =	shalt  }
0x80: {  	_ =	shalt  }
0x81: {  	_ =	shalt  }
0x82: {  	_ =	shalt  }
0x83: {  	_ =	shalt  }
0x84: {  	_ =	shalt  }
0x85: {  	_ =	shalt  }
0x86: {  	_ =	shalt  }
0x87: {  	_ =	shalt  }
.Lfunc_end0:
.L_simem_size_0:
called_computation_lowered:
.L_overlay_start_0:
0x88: {  	s2 =	sld [smem:$0x3FD9]  }
0x89: {  	s3 =	sld [smem:$0x3FFE];
	_ =	sdelay $0x1  }
0x8a: {  	s1 =	srdreg.scid  }
0x8b: {  	s0 =	sand.u32 $0x1, s1  }
0x8c: {  	s16 =	sshll.u32 s0, $0xA;
	s2 =	sadd.s32 s3, s2  }
0x8d: {  	s2 =	sadd.s32 s2, s16  }
0x8e: {  	[smem:$0x3FB6] =	sst s2  }
0x8f: {  	_ = 	snop  }
0x90: {  	(tm) =	ssettm $0x1  }
0x91: {  	s17 =	sld [smem:$0x3FFB];
	_ =	sdelay $0x3  }
0x92: {  	_ =	strace s17  }
0x93: {  	s2 =	sld [smem:$0x3FFC];
	_ =	sdelay $0x3  }
0x94: {  	_ =	strace s2  }
0x95: {  	s2 =	sld [smem:$0x3FFD];
	_ =	sdelay $0x3  }
0x96: {  	_ =	strace s2  }
0x97: {  	_ =	strace $0x8FFFFFFF  }
0x98: {  	s18 =	sld [smem:$0x3FDB];
	_ =	sdelay $0x1  }
0x99: {  	s19 =	simm.s32 $_scs_section_size  }
0x9a: {  	s4 =	simm.s32 $_size__tile_overlayer_lowered;
	s5 =	simm.s32 $_tile_overlayer_lowered  }
0x9b: {  	s22 =	simm.s32 $0x1BFF;
	s21 =	sshll.u32 s5, $0x1;
	s2 =	sadd.s32 s19, s18  }
0x9c: {  	s6 =	simm.s32 $0x0;
	s20 =	sshll.u32 s4, $0x1;
	s4 =	sadd.s32 s21, s2  }
0x9d: {  	[timem:s6], [sflag:s22] =	dma.local [hbm:s4], s20  }
0x9e: {  	_ =	swait.ge [sflag:s22], s20  }
0x9f: {  	s3 =	ssub.s32 $0x0, s20;
	[sflag:s22] =	ssyncset.done $0x0  }
0xa0: {  	[sflag:s22] =	ssyncadd.s32 s3;
	_ =	sdelay $0x1  }
0xa1: {  	s23 =	simm.s32 $0x1B8B  }
0xa2: {  	_ =	swait.ge [sflag:s23], $0x1  }
0xa3: {  	[sflag:s23] =	ssyncset.done $0x0  }
0xa4: {  	s25 =	simm.s32 $0x1B8E;
	s24 =	sld [smem:$0x3FFE];
	[sflag:s23] =	ssyncadd.s32 $0xFFFFFFFF  }
0xa5: {  	s26 =	simm.s32 $execute0_lowered;
	[smem:$0x3FD2] =	sst s25  }
0xa6: {  	s4 =	sshll.u32 s26, $0x1;
	_ =	strace $0x80000046;
	[dreg:$0x1] =	wrdreg $0xFFFFFFFF  }
0xa7: {  	s28 =	simm.s32 $_size_execute0_lowered;
	s2 =	sadd.s32 s2, s4;
	[dreg:$0x0] =	wrdreg $0x0  }
0xa8: {  	s4 =	sshll.u32 s28, $0x1;
	[dreg:$0x2] =	wrdreg s2  }
0xa9: {  	[dreg:$0x3] =	wrdreg s4  }
0xaa: {  	[dreg:$0x4] =	wrdreg $0xC0  }
0xab: {  	_ =	task [dreg:s6], $0x5FFFF  }
0xac: {  	[dreg:$0x1] =	wrdreg $0xFFFFFFFF  }
0xad: {  	[dreg:$0x0] =	wrdreg $0x60  }
0xae: {  	[dreg:$0x2] =	wrdreg s24  }
0xaf: {  	[dreg:$0x3] =	wrdreg $0x41000  }
0xb0: {  	[dreg:$0x4] =	wrdreg $0x9  }
0xb1: {  	_ =	task.clear_ibuf [dreg:s6], $0x5FFFF;
	_ =	strace $0x90000046  }
0xb2: {  	s29 =	simm.s32 $0x9;
	_ =	strace $0x80000048  }
0xb3: {  	_ =	swait.ge [sflag:s29], $0x1  }
0xb4: {  	[sflag:s29] =	ssyncadd.s32 $0xFFFFFFFF  }
0xb5: {  	_ =	strace $0x90000048  }
0xb6: {  	_ =	sfence  }
0xb7: {  	s30 =	sld [smem:$0x0];
	_ =	sdelay $0x2  }
0xb8: {  	s31 =	sshll.u32 s1, $0xD;
	s1 =	sshrl.u32 s1, $0x2  }
0xb9: {  	s3 =	sand.u32 $0x4000, s31;
	s1 =	sadd.s32 s1, s30  }
0xba: {  	s0 =	sor.u32 s3, s0;
	s1 =	sshll.u32 s1, $0x11  }
0xbb: {  	s0 =	sor.u32 s1, s0  }
0xbc: {  	s0 =	sadd.s32 $0x8F2B, s0  }
0xbd: {  	[sflag:s0] =	ssyncadd.remote.s32 $0x1  }
0xbe: {  	_ =	sfence.sel $0xFFFF  }
0xbf: {  	[dreg:$0x0] =	wrdreg $0xFFFFFFFF;
	(pc) =	sbr.abs _section_cstart, $3  }
0xc0: {  	[dreg:$0x1] =	wrdreg $0xFFFFFFFF  }
0xc1: {  	_ =	task.clear_ibuf [dreg:s6], $0x2FFFF;
	_ =	strace $0x9FFFFFFF  }
0xc2: {  	(tm) =	ssettm $0x7FFFFFFF  }
0xc3: {  	_ =	shalt  }
tec
execute0_lowered:
.L_overlay_start_1:
0x0: {  	(tag) =	ssettag $0x1  }
0x1: {  	s8 =	rddreg [dreg:$0x0]  }
0x2: {  	s1 =	rddreg [dreg:$0x1]  }
0x3: {  	s0 =	rddreg [dreg:$0x2]  }
0x4: {  	s3 =	simm.s32 $0x0;
	s2 =	stileid.u32;
	s7 =	srdreg.scid  }
0x5: {  	s16 =	simm.s32 $0x3;
	s17 =	simm.s32 $0x4;
	s18 =	simm.s32 $0x80  }
0x6: {  	s19 =	simm.s32 $0x100;
	s20 =	simm.s32 $0x2100;
	s22 =	simm.s32 $0x2  }
0x7: {  	s29 =	simm.s32 $0x0;
	[smem:$0x7FF] =	sst s3;
	s4 =	sadd.s32 $0xD2B200, s8  }
0x8: {  	s9 =	smul.u32 $0x18800, s2;
	s5 =	sadd.s32 $0x1A400, s8;
	s6 =	sadd.s32 $0x1C00, s8  }
0x9: {  	s10 =	sand.u32 $0x1, s7;
	s7 =	sadd.s32 $0x189CC00, s8;
	s13 =	smul.u32 $0x620, s2  }
0xa: {  	s14 =	sadd.s32 $0xDBDE00, s8;
	s28 =	sshll.u32 s2, $0x6;
	s23 =	sadd.s32 $0x16F800, s1  }
0xb: {  	p0 =	seq.s32 s2, $0xF;
	_ =	strace $0x80000047;
	s21 =	smul.u32 $0x61A8, s10  }
0xc: {  	s12 =	ssub.s32 $0x2, s10;
	s10 =	smul.u32 $0x186A00, s10;
	s11 =	sshrl.u32 s9, $0x3  }
0xd: {  	s23 =	sshrl.u32 @p0 s23, $0x3;
	s26 =	sshrl.u32 s12, $0x1;
	s11 =	sadd.s32 s11, s8  }
.Ltmp0:
0xe: {  	s15 =	ssub.s32 s12, s26;
	s8 =	sadd.s32 s9, s1;
	(pc) =	sbr.rel .LBB2_1-.Ltmp0, $4  }
0xf: {  	s30 =	sadd.s32 s13, s21;
	s31 =	sshrl.u32 s10, $0x3;
	s10 =	sor.u32 $0x1C03, s28  }
0x10: {  	v0 =	vmov s21;
	s21 =	simm.s32 $0x1;
	s9 =	sadd.s32 $0xD8CE00, s11;
	s12 =	sshll.u32 s30, $0x3  }
0x11: {  	s13 =	sadd.s32 s14, s31;
	s11 =	smul.u32 $0x187, s2;
	s12 =	sadd.s32 s14, s12  }
0x12: {  	s13 =	sadd.s32 $0x2DF00, s13;
	s14 =	smax.u32 s15, $0x1;
	s15 =	sshrl.u32 s8, $0x3  }
.LBB2_7:
0x13: {  	[bflag:$0x0] =	sbarrier.arrive $0xFFFF;
	s24 =	simm.s32 @p0 $0x3  }
0x14: {  	[hbm:s13], [sflag:s10] =	dma.local @p0 [spmem:s23], $0x2E40  }
0x15: {  	_ =	swait.ge @p0 [sflag:s24], $0x2E40  }
0x16: {  	s3 =	sadd.s32 $0x1, s3;
	[sflag:s24] =	ssyncset.done @p0 $0x0  }
0x17: {  	p1 =	sne.s32 s3, s14;
	[sflag:s24] =	ssyncadd.s32 @p0 $0xFFFFD1C0;
	s24 =	sshrl.u32 @!p0 s8, $0x3  }
0x18: {  	[hbm:s12], [sflag:s10] =	dma.local @!p0 [spmem:s24], $0x3100  }
.Ltmp1:
0x19: {  	_ = 	snop;
	(pc) =	sbr.rel @!p1 .LBB2_8-.Ltmp1, $4  }
0x1a: {  	s24 =	simm.s32 @!p0 $0x3  }
0x1b: {  	_ =	swait.ge @!p0 [sflag:s24], $0x3100  }
0x1c: {  	[sflag:s24] =	ssyncset.done @!p0 $0x0  }
0x1d: {  	[sflag:s24] =	ssyncadd.s32 @!p0 $0xFFFFCF00  }
.LBB2_1:
0x1e: {  	[spmem:s15], [sflag:s10] =	dma.local [hbm:s9], $0x3100  }
.Ltmp2:
0x1f: {  	_ =	swait.ge [sflag:s16], $0x3100;
	(pc) =	sbr.rel .LBB2_2-.Ltmp2, $4  }
0x20: {  	[sflag:s16] =	ssyncset.done $0x0  }
0x21: {  	[sflag:s16] =	ssyncadd.s32 $0xFFFFCF00  }
0x22: {  	[bflag:$0x0] =	sbarrier.arrive $0xFFFF  }
0x23: {  	s24 =	simm.s32 $0x0  }
.LBB2_6:
0x24: {  	s24 =	sadd.s32 $0x1, s24  }
0x25: {  	p1 =	sne.s32 s24, $0x187  }
.Ltmp3:
0x26: {  	_ = 	snop;
	(pc) =	sbr.rel @!p1 .LBB2_7-.Ltmp3, $1  }
0x27: {  	_ =	sdelay $0x3  }
.LBB2_2:
0x28: {  	s25 =	sadd.s32 s11, s24  }
0x29: {  	p1 =	sgt.u32 s25, $0x1869  }
.Ltmp4:
0x2a: {  	_ = 	snop;
	(pc) =	sbr.rel @p1 .LBB2_6-.Ltmp4, $1  }
0x2b: {  	_ =	sdelay $0x3  }
0x2c: {  	s26 =	sshll.u32 s25, $0x4  }
0x2d: {  	s28 =	sadd.s32 s5, s26  }
0x2e: {  	[tilespmem:s29], [sflag:$0x4] =	stream.linear.gather [hbm4b:s28+s29], $0x80, $0x38;
	[tilespmem:$0x1C900] =	vst v63  }
0x2f: {  	_ =	swait.ge [sflag:s17], $0x80  }
0x30: {  	[sflag:s17] =	ssyncset.done $0x0  }
0x31: {  	s26 =	sadd.s32 s6, s26;
	[sflag:s17] =	ssyncadd.s32 $0xFFFFFF80  }
0x32: {  	[tilespmem:s18], [sflag:$0x4] =	stream.linear.gather [hbm4b:s26+s29], $0x80, $0x38;
	[tilespmem:$0x1C900] =	vst v63  }
0x33: {  	_ =	swait.ge [sflag:s17], $0x80  }
0x34: {  	[sflag:s17] =	ssyncset.done $0x0  }
0x35: {  	s31 =	sshll.u32 s25, $0xA;
	[sflag:s17] =	ssyncadd.s32 $0xFFFFFF80  }
0x36: {  	[tilespmem:s19], [sflag:$0x1] =	stream.indirect.gather [hbm4b:s4+s18], $0x40, s29, s18, $0xb8;
	[tilespmem:$0x1C900] =	vst v63  }
0x37: {  	s25 =	sadd.s32 s7, s31  }
0x38: {  	[tilespmem:s20], [sflag:$0x2] =	stream.linear.gather [hbm4b:s25+s29], $0x2000, $0x38;
	[tilespmem:$0x1C900] =	vst v63  }
0x39: {  	v1 =	vld [tilespmem:$0x80]  }
0x3a: {  	v2 =	vld [tilespmem:$0x90]  }
0x3b: {  	v3 =	vld [tilespmem:$0xA0]  }
0x3c: {  	v4 =	vld [tilespmem:$0xB0]  }
0x3d: {  	v5 =	vld [tilespmem:$0xC0]  }
0x3e: {  	v6 =	vld [tilespmem:$0xD0];
	v1 =	vsub.s32 v1, v0  }
0x3f: {  	v7 =	vld [tilespmem:$0xE0];
	v2 =	vsub.s32 v2, v0;
	v1 =	vmin.u32 v1, $0x61A8  }
0x40: {  	[tilespmem:$0x80] =	vst v1;
	v1 =	vmin.u32 v2, $0x61A8;
	v2 =	vsub.s32 v3, v0;
	v3 =	vld [tilespmem:$0xF0]  }
0x41: {  	[tilespmem:$0x90] =	vst v1;
	v1 =	vmin.u32 v2, $0x61A8;
	v2 =	vsub.s32 v4, v0  }
0x42: {  	[tilespmem:$0xA0] =	vst v1;
	v1 =	vmin.u32 v2, $0x61A8;
	v2 =	vsub.s32 v5, v0  }
0x43: {  	[tilespmem:$0xB0] =	vst v1;
	v1 =	vmin.u32 v2, $0x61A8;
	v2 =	vsub.s32 v6, v0  }
0x44: {  	[tilespmem:$0xC0] =	vst v1;
	v1 =	vmin.u32 v2, $0x61A8;
	v2 =	vsub.s32 v7, v0  }
0x45: {  	[tilespmem:$0xD0] =	vst v1;
	v1 =	vmin.u32 v2, $0x61A8;
	v2 =	vsub.s32 v3, v0  }
0x46: {  	[tilespmem:$0xE0] =	vst v1;
	v1 =	vmin.u32 v2, $0x61A8  }
0x47: {  	[tilespmem:$0xF0] =	vst v1  }
0x48: {  	_ =	swait.ge [sflag:s21], $0x2000  }
0x49: {  	[sflag:s21] =	ssyncset.done $0x0  }
0x4a: {  	[sflag:s21] =	ssyncadd.s32 $0xFFFFE000  }
0x4b: {  	_ =	swait.ge [sflag:s22], $0x2000  }
0x4c: {  	[sflag:s22] =	ssyncset.done $0x0  }
0x4d: {  	s25 =	simm.s32 $0x0;
	[sflag:s22] =	ssyncadd.s32 $0xFFFFE000  }
0x4e: {  	v3 =	vld [tilespmem:s25+$0x2100]  }
0x4f: {  	v4 =	vld [tilespmem:s25+$0x2110]  }
0x50: {  	v2 =	vld [tilespmem:s25+$0x2120]  }
0x51: {  	v1 =	vld [tilespmem:s25+$0x2130]  }
0x52: {  	v5 =	vld [tilespmem:s25+$0x100]  }
0x53: {  	v7 =	vld [tilespmem:s25+$0x110]  }
0x54: {  	s26 =	simm.s32 $0x100;
	v6 =	vld [tilespmem:s25+$0x120]  }
.LBB2_4:
0x55: {  	p1 =	sne.s32 s26, $0x7F00;
	v8 =	vld [tilespmem:s25+$0x130]  }
0x56: {  	s28 =	sshra.s32 s26, $0x2  }
0x57: {  	v5 =	vadd.f32 v3, v5;
	v3 =	vld [tilespmem:s28+$0x2100]  }
0x58: {  	v7 =	vadd.f32 v4, v7;
	v4 =	vld [tilespmem:s28+$0x2110]  }
.Ltmp5:
0x59: {  	v5 =	vmax.f32 v5, $0.0e+00;
	v6 =	vadd.f32 v2, v6;
	v2 =	vld [tilespmem:s28+$0x2120];
	(pc) =	sbr.rel @p1 .LBB2_4-.Ltmp5, $4  }
0x5a: {  	[tilespmem:s25+$0x100] =	vst v5;
	v7 =	vmax.f32 v7, $0.0e+00;
	v8 =	vadd.f32 v1, v8;
	v1 =	vld [tilespmem:s28+$0x2130]  }
0x5b: {  	v5 =	vld [tilespmem:s28+$0x100];
	[tilespmem:s25+$0x110] =	vst v7;
	v6 =	vmax.f32 v6, $0.0e+00  }
0x5c: {  	v7 =	vld [tilespmem:s28+$0x110];
	[tilespmem:s25+$0x120] =	vst v6;
	v8 =	vmax.f32 v8, $0.0e+00  }
0x5d: {  	s26 =	sadd.s32 $0x100, s26;
	v6 =	vld [tilespmem:s28+$0x120];
	[tilespmem:s25+$0x130] =	vst v8;
	s25 =	smov.u32 s28  }
0x5e: {  	v8 =	vld [tilespmem:s25+$0x130];
	_ =	sdelay $0x1  }
0x5f: {  	v3 =	vadd.f32 v3, v5  }
0x60: {  	v4 =	vadd.f32 v4, v7  }
0x61: {  	v3 =	vmax.f32 v3, $0.0e+00;
	v2 =	vadd.f32 v2, v6  }
0x62: {  	[tilespmem:s25+$0x100] =	vst v3;
	v3 =	vmax.f32 v4, $0.0e+00;
	v1 =	vadd.f32 v1, v8  }
0x63: {  	[tilespmem:s25+$0x110] =	vst v3;
	v2 =	vmax.f32 v2, $0.0e+00  }
0x64: {  	[tilespmem:s25+$0x120] =	vst v2;
	v1 =	vmax.f32 v1, $0.0e+00  }
.Ltmp6:
0x65: {  	[tilespmem:s25+$0x130] =	vst v1;
	(pc) =	sbr.rel .LBB2_6-.Ltmp6, $4  }
0x66: {  	[spmem:s1] =	stream.indirect.scatter.add.f32 [tilespmem:s19], [sflag:$0x3], $0x40, s18, s18, $0xb8;
	[tilespmem:$0x1C900] =	vst v63  }
0x67: {  	_ =	swait.ge [sflag:s16], $0x2000  }
0x68: {  	[sflag:s16] =	ssyncset.done $0x0  }
0x69: {  	[sflag:s16] =	ssyncadd.s32 $0xFFFFE000  }
.LBB2_8:
0x6a: {  	_ =	sfence.sel $0x180000  }
0x6b: {  	[bflag:$0x0] =	sbarrier.arrive $0xFFFF  }
0x6c: {  	p0 =	sne.s32 s2, $0x0;
	_ =	strace $0x90000047  }
0x6d: {  	s0 =	sadd.s32 @!p0 $0x100000, s0;
	[bflag:$0x2] =	sbarrier.arrive $0xFFFF  }
0x6e: {  	[sflag:s0] =	ssyncadd.tile.s32 @!p0 $0x1;
	_ =	shalt  }
.Lfunc_end2:
_tile_overlayer_lowered:
.L_overlay_start_2:
0x6f: {  	(tag) =	ssettag $0x2  }
0x70: {  	s0 =	rddreg [dreg:$0x0];
	s2 =	stileid.u32  }
0x71: {  	s1 =	rddreg [dreg:$0x1];
	p0 =	sne.s32 s2, $0x0  }
0x72: {  	s3 =	rddreg [dreg:$0x2];
	[bflag:$0x3] =	sbarrier.arrive $0xFFFF;
	s2 =	simm.s32 @!p0 $0x1C03  }
0x73: {  	[timem:s3], [sflag:s2] =	dma.local @!p0 [hbm:s0], s1  }
0x74: {  	s0 =	simm.s32 @!p0 $0x3  }
0x75: {  	_ =	swait.ge @!p0 [sflag:s0], s1  }
0x76: {  	s1 =	ssub.s32 @!p0 $0x0, s1;
	[sflag:s0] =	ssyncset.done @!p0 $0x0  }
0x77: {  	[sflag:s0] =	ssyncadd.s32 @!p0 s1  }
0x78: {  	[bflag:$0x3] =	sbarrier.arrive $0xFFFF  }
0x79: {  	_ =	shalt  }

// kernel: kernel.15.cloned.1.call-start
scs
__scs_entry_jumppad:
0x0: {  	(pc) =	sbr.rel $0x88, $3  }
0x1: {  	(tag) =	ssettag $0x0;
	lr =	simm.s32 $0x1  }
0x2: {  	[smem:$0x3F8F] =	sst lr;
	_ =	strace $0xD0000000  }
0x3: {  	_ = 	snop  }
0x4: {  	_ = 	snop  }
0x5: {  	_ = 	snop  }
0x6: {  	_ = 	snop  }
0x7: {  	_ = 	snop  }
__scs_overlays_trampoline_lowered:
0x8: {  	[smem:$0x3F9E] =	sst s0  }
0x9: {  	[smem:$0x3F9F] =	sst s1  }
0xa: {  	[smem:$0x3FA0] =	sst s2  }
0xb: {  	[smem:$0x3FA1] =	sst s3  }
0xc: {  	[smem:$0x3FA2] =	sst s4  }
0xd: {  	[smem:$0x3FA3] =	sst s5  }
0xe: {  	[smem:$0x3FA4] =	sst s6  }
0xf: {  	[smem:$0x3FA5] =	sst s7  }
0x10: {  	[smem:$0x3FA6] =	sst s8  }
0x11: {  	[smem:$0x3FA7] =	sst s9;
	s0 =	simm.s32 @!p0 $0x0  }
0x12: {  	s1 =	sld [smem:$0x3F8D];
	s0 =	simm.s32 @p0 $0x1  }
0x13: {  	[smem:$0x3FA8] =	sst s0;
	s0 =	simm.s32 @!p1 $0x0  }
0x14: {  	s2 =	sld [smem:$0x3F8C];
	s0 =	simm.s32 @p1 $0x1  }
0x15: {  	[smem:$0x3FA9] =	sst s0;
	s0 =	simm.s32 @!p2 $0x0  }
0x16: {  	s3 =	sld [smem:$0x3FDB];
	s0 =	simm.s32 @p2 $0x1  }
0x17: {  	s4 =	simm.s32 $0x1BF5;
	[smem:$0x3FAB] =	sst s0  }
0x18: {  	s0 =	sld [smem:$0x3F8E];
	_ =	swait.ge [sflag:s4], $0x0  }
0x19: {  	s7 =	sld [smem:$0x3F8F]  }
0x1a: {  	s8 =	sadd.s32 $0xFFFFE003, lr  }
0x1b: {  	s9 =	sadd.s32 $0xFFFFFEF7, lr;
	s5 =	simm.s32 $0xFFFFFFFF;
	p2 =	slt.u32 s8, $0xFFFFF086  }
0x1c: {  	p1 =	slt.u32 s9, $0xF7A;
	s5 =	simm.s32 @!p2 $0x0  }
0x1d: {  	s5 =	simm.s32 @p1 $0x1;
	p0 =	seq.s32 s7, s2  }
0x1e: {  	s7 =	smul.u32 @!p0 $0xF7A, s2;
	p2 =	seq.s32 @!p0 s5, $0x0  }
0x1f: {  	s9 =	smul.u32 $0xF7A, s1;
	s8 =	simm.s32 @!p0 $0x1BF5;
	p2 =	por !p2, p0  }
0x20: {  	[sflag:s8] =	ssyncset.s32 @!p0 $0xFFFFF086;
	s6 =	sadd.s32 @!p0 s3, s7;
	s7 =	simm.s32 @!p0 $0x108  }
0x21: {  	s3 =	sadd.s32 s3, s9;
	s6 =	sadd.s32 @!p0 $0x88, s6;
	s7 =	simm.s32 @p2 $0x1082  }
0x22: {  	[simem:s7], [sflag:s8] =	dma.local @!p0 [hbm:s6], $0xF7A  }
0x23: {  	s9 =	sor.u32 $0xD0000000, s2;
	s6 =	simm.s32 $0x108;
	_ =	swait.ge @!p0 [sflag:s8], $0x0  }
0x24: {  	s3 =	sadd.s32 $0x88, s3;
	s6 =	simm.s32 @!p1 $0x1082;
	[sflag:s4] =	ssyncset.s32 $0xFFFFF086  }
0x25: {  	[simem:s6], [sflag:s4] =	dma.local [hbm:s3], $0xF7A  }
0x26: {  	[smem:$0x3F8F] =	sst s1;
	(tag) =	ssettag s2;
	_ =	strace s9  }
0x27: {  	s1 =	sld [smem:$0x3F9F]  }
0x28: {  	s2 =	sld [smem:$0x3FA0]  }
0x29: {  	s4 =	sld [smem:$0x3FA2]  }
0x2a: {  	p0 =	seq.s32 s5, $0x0;
	s5 =	sld [smem:$0x3FA3]  }
0x2b: {  	s6 =	sld [smem:$0x3FA4]  }
0x2c: {  	s7 =	sld [smem:$0x3FA5]  }
0x2d: {  	s3 =	simm.s32 $0x108;
	s8 =	sld [smem:$0x3FA6]  }
0x2e: {  	s3 =	simm.s32 @!p0 $0x1082;
	s9 =	sld [smem:$0x3FA7]  }
0x2f: {  	lr =	sadd.s32 s0, s3;
	s0 =	sld [smem:$0x3F9E]  }
0x30: {  	s3 =	sld [smem:$0x3FA1]  }
0x31: {  	[smem:$0x3FAA] =	sst s10  }
0x32: {  	s10 =	sld [smem:$0x3FA8];
	_ =	sdelay $0x3  }
0x33: {  	p0 =	seq.s32 s10, $0x1;
	s10 =	sld [smem:$0x3FAA];
	_ =	sdelay $0x3  }
0x34: {  	[smem:$0x3FAA] =	sst s10  }
0x35: {  	s10 =	sld [smem:$0x3FA9];
	_ =	sdelay $0x3  }
0x36: {  	p1 =	seq.s32 s10, $0x1;
	s10 =	sld [smem:$0x3FAA];
	_ =	sdelay $0x3  }
0x37: {  	[smem:$0x3FAA] =	sst s10  }
0x38: {  	s10 =	sld [smem:$0x3FAB]  }
0x39: {  	_ = 	snop;
	(pc) =	sbr.ind lr, $3  }
0x3a: {  	_ = 	snop  }
0x3b: {  	_ = 	snop  }
0x3c: {  	p2 =	seq.s32 s10, $0x1;
	s10 =	sld [smem:$0x3FAA]  }
0x3d: {  	_ =	shalt  }
0x3e: {  	_ =	shalt  }
0x3f: {  	_ =	shalt  }
0x40: {  	_ =	shalt  }
0x41: {  	_ =	shalt  }
0x42: {  	_ =	shalt  }
0x43: {  	_ =	shalt  }
0x44: {  	_ =	shalt  }
0x45: {  	_ =	shalt  }
0x46: {  	_ =	shalt  }
0x47: {  	_ =	shalt  }
0x48: {  	_ =	shalt  }
0x49: {  	_ =	shalt  }
0x4a: {  	_ =	shalt  }
0x4b: {  	_ =	shalt  }
0x4c: {  	_ =	shalt  }
0x4d: {  	_ =	shalt  }
0x4e: {  	_ =	shalt  }
0x4f: {  	_ =	shalt  }
0x50: {  	_ =	shalt  }
0x51: {  	_ =	shalt  }
0x52: {  	_ =	shalt  }
0x53: {  	_ =	shalt  }
0x54: {  	_ =	shalt  }
0x55: {  	_ =	shalt  }
0x56: {  	_ =	shalt  }
0x57: {  	_ =	shalt  }
0x58: {  	_ =	shalt  }
0x59: {  	_ =	shalt  }
0x5a: {  	_ =	shalt  }
0x5b: {  	_ =	shalt  }
0x5c: {  	_ =	shalt  }
0x5d: {  	_ =	shalt  }
0x5e: {  	_ =	shalt  }
0x5f: {  	_ =	shalt  }
0x60: {  	_ =	shalt  }
0x61: {  	_ =	shalt  }
0x62: {  	_ =	shalt  }
0x63: {  	_ =	shalt  }
0x64: {  	_ =	shalt  }
0x65: {  	_ =	shalt  }
0x66: {  	_ =	shalt  }
0x67: {  	_ =	shalt  }
0x68: {  	_ =	shalt  }
0x69: {  	_ =	shalt  }
0x6a: {  	_ =	shalt  }
0x6b: {  	_ =	shalt  }
0x6c: {  	_ =	shalt  }
0x6d: {  	_ =	shalt  }
0x6e: {  	_ =	shalt  }
0x6f: {  	_ =	shalt  }
0x70: {  	_ =	shalt  }
0x71: {  	_ =	shalt  }
0x72: {  	_ =	shalt  }
0x73: {  	_ =	shalt  }
0x74: {  	_ =	shalt  }
0x75: {  	_ =	shalt  }
0x76: {  	_ =	shalt  }
0x77: {  	_ =	shalt  }
0x78: {  	_ =	shalt  }
0x79: {  	_ =	shalt  }
0x7a: {  	_ =	shalt  }
0x7b: {  	_ =	shalt  }
0x7c: {  	_ =	shalt  }
0x7d: {  	_ =	shalt  }
0x7e: {  	_ =	shalt  }
0x7f: {  	_ =	shalt  }
0x80: {  	_ =	shalt  }
0x81: {  	_ =	shalt  }
0x82: {  	_ =	shalt  }
0x83: {  	_ =	shalt  }
0x84: {  	_ =	shalt  }
0x85: {  	_ =	shalt  }
0x86: {  	_ =	shalt  }
0x87: {  	_ =	shalt  }
.Lfunc_end0:
.L_simem_size_0:
called_computation.1_lowered:
.L_overlay_start_0:
0x88: {  	s2 =	sld [smem:$0x3FD9]  }
0x89: {  	s3 =	sld [smem:$0x3FFE];
	_ =	sdelay $0x1  }
0x8a: {  	s1 =	srdreg.scid  }
0x8b: {  	s0 =	sand.u32 $0x1, s1  }
0x8c: {  	s16 =	sshll.u32 s0, $0xA;
	s2 =	sadd.s32 s3, s2  }
0x8d: {  	s2 =	sadd.s32 s2, s16  }
0x8e: {  	[smem:$0x3FB6] =	sst s2  }
0x8f: {  	_ = 	snop  }
0x90: {  	(tm) =	ssettm $0x1  }
0x91: {  	s17 =	sld [smem:$0x3FFB];
	_ =	sdelay $0x3  }
0x92: {  	_ =	strace s17  }
0x93: {  	s2 =	sld [smem:$0x3FFC];
	_ =	sdelay $0x3  }
0x94: {  	_ =	strace s2  }
0x95: {  	s2 =	sld [smem:$0x3FFD];
	_ =	sdelay $0x3  }
0x96: {  	_ =	strace s2  }
0x97: {  	_ =	strace $0x8FFFFFFF  }
0x98: {  	s18 =	sld [smem:$0x3FDB];
	_ =	sdelay $0x1  }
0x99: {  	s19 =	simm.s32 $_scs_section_size  }
0x9a: {  	s4 =	simm.s32 $_size__tile_overlayer_lowered;
	s5 =	simm.s32 $_tile_overlayer_lowered  }
0x9b: {  	s22 =	simm.s32 $0x1BFF;
	s21 =	sshll.u32 s5, $0x1;
	s2 =	sadd.s32 s19, s18  }
0x9c: {  	s6 =	simm.s32 $0x0;
	s20 =	sshll.u32 s4, $0x1;
	s4 =	sadd.s32 s21, s2  }
0x9d: {  	[timem:s6], [sflag:s22] =	dma.local [hbm:s4], s20  }
0x9e: {  	_ =	swait.ge [sflag:s22], s20  }
0x9f: {  	s3 =	ssub.s32 $0x0, s20;
	[sflag:s22] =	ssyncset.done $0x0  }
0xa0: {  	[sflag:s22] =	ssyncadd.s32 s3;
	_ =	sdelay $0x1  }
0xa1: {  	s23 =	simm.s32 $0x1B8B  }
0xa2: {  	_ =	swait.ge [sflag:s23], $0x1  }
0xa3: {  	[sflag:s23] =	ssyncset.done $0x0  }
0xa4: {  	s25 =	simm.s32 $0x1B8E;
	s24 =	sld [smem:$0x3FFE];
	[sflag:s23] =	ssyncadd.s32 $0xFFFFFFFF  }
0xa5: {  	s26 =	simm.s32 $execute0_lowered;
	[smem:$0x3FD2] =	sst s25  }
0xa6: {  	s4 =	sshll.u32 s26, $0x1;
	_ =	strace $0x80000049;
	[dreg:$0x1] =	wrdreg $0xFFFFFFFF  }
0xa7: {  	s28 =	simm.s32 $_size_execute0_lowered;
	s2 =	sadd.s32 s2, s4;
	[dreg:$0x0] =	wrdreg $0x0  }
0xa8: {  	s4 =	sshll.u32 s28, $0x1;
	[dreg:$0x2] =	wrdreg s2  }
0xa9: {  	[dreg:$0x3] =	wrdreg s4  }
0xaa: {  	[dreg:$0x4] =	wrdreg $0xC0  }
0xab: {  	_ =	task [dreg:s6], $0x5FFFF  }
0xac: {  	[dreg:$0x1] =	wrdreg $0xFFFFFFFF  }
0xad: {  	[dreg:$0x0] =	wrdreg $0x60  }
0xae: {  	[dreg:$0x2] =	wrdreg s24  }
0xaf: {  	[dreg:$0x3] =	wrdreg $0x41000  }
0xb0: {  	[dreg:$0x4] =	wrdreg $0x9  }
0xb1: {  	_ =	task.clear_ibuf [dreg:s6], $0x5FFFF;
	_ =	strace $0x90000049  }
0xb2: {  	s29 =	simm.s32 $0x9;
	_ =	strace $0x8000004B  }
0xb3: {  	_ =	swait.ge [sflag:s29], $0x1  }
0xb4: {  	[sflag:s29] =	ssyncadd.s32 $0xFFFFFFFF  }
0xb5: {  	_ =	strace $0x9000004B  }
0xb6: {  	_ =	sfence  }
0xb7: {  	s30 =	sld [smem:$0x0];
	_ =	sdelay $0x2  }
0xb8: {  	s31 =	sshll.u32 s1, $0xD;
	s1 =	sshrl.u32 s1, $0x2  }
0xb9: {  	s3 =	sand.u32 $0x4000, s31;
	s1 =	sadd.s32 s1, s30  }
0xba: {  	s0 =	sor.u32 s3, s0;
	s1 =	sshll.u32 s1, $0x11  }
0xbb: {  	s0 =	sor.u32 s1, s0  }
0xbc: {  	s0 =	sadd.s32 $0x8F2B, s0  }
0xbd: {  	[sflag:s0] =	ssyncadd.remote.s32 $0x1  }
0xbe: {  	_ =	sfence.sel $0xFFFF  }
0xbf: {  	[dreg:$0x0] =	wrdreg $0xFFFFFFFF;
	(pc) =	sbr.abs _section_cstart, $3  }
0xc0: {  	[dreg:$0x1] =	wrdreg $0xFFFFFFFF  }
0xc1: {  	_ =	task.clear_ibuf [dreg:s6], $0x2FFFF;
	_ =	strace $0x9FFFFFFF  }
0xc2: {  	(tm) =	ssettm $0x7FFFFFFF  }
0xc3: {  	_ =	shalt  }
tec
execute0_lowered:
.L_overlay_start_1:
0x0: {  	(tag) =	ssettag $0x1  }
0x1: {  	s8 =	rddreg [dreg:$0x0]  }
0x2: {  	s1 =	rddreg [dreg:$0x1]  }
0x3: {  	s0 =	rddreg [dreg:$0x2]  }
0x4: {  	s3 =	simm.s32 $0x0;
	s2 =	stileid.u32;
	s7 =	srdreg.scid  }
0x5: {  	s16 =	simm.s32 $0x3;
	s17 =	simm.s32 $0x4;
	s18 =	simm.s32 $0x80  }
0x6: {  	s19 =	simm.s32 $0x100;
	s20 =	simm.s32 $0x2100;
	s22 =	simm.s32 $0x2  }
0x7: {  	s29 =	simm.s32 $0x0;
	[smem:$0x7FF] =	sst s3;
	s4 =	sadd.s32 $0xDBDE00, s8  }
0x8: {  	s9 =	smul.u32 $0x18800, s2;
	s5 =	sadd.s32 $0x1A400, s8;
	s6 =	sadd.s32 $0x1C00, s8  }
0x9: {  	s10 =	sand.u32 $0x1, s7;
	s7 =	sadd.s32 $0xE1FA00, s8;
	s13 =	smul.u32 $0x620, s2  }
0xa: {  	s14 =	sadd.s32 $0x143A200, s8;
	s28 =	sshll.u32 s2, $0x6;
	s23 =	sadd.s32 $0x16F800, s1  }
0xb: {  	p0 =	seq.s32 s2, $0xF;
	_ =	strace $0x8000004A;
	s21 =	smul.u32 $0x61A8, s10  }
0xc: {  	s12 =	ssub.s32 $0x2, s10;
	s10 =	smul.u32 $0x186A00, s10;
	s11 =	sshrl.u32 s9, $0x3  }
0xd: {  	s23 =	sshrl.u32 @p0 s23, $0x3;
	s26 =	sshrl.u32 s12, $0x1;
	s11 =	sadd.s32 s11, s8  }
.Ltmp0:
0xe: {  	s15 =	ssub.s32 s12, s26;
	s8 =	sadd.s32 s9, s1;
	(pc) =	sbr.rel .LBB2_1-.Ltmp0, $4  }
0xf: {  	s30 =	sadd.s32 s13, s21;
	s31 =	sshrl.u32 s10, $0x3;
	s10 =	sor.u32 $0x1C03, s28  }
0x10: {  	v0 =	vmov s21;
	s21 =	simm.s32 $0x1;
	s9 =	sadd.s32 $0xD8CE00, s11;
	s12 =	sshll.u32 s30, $0x3  }
0x11: {  	s13 =	sadd.s32 s14, s31;
	s11 =	smul.u32 $0x187, s2;
	s12 =	sadd.s32 s14, s12  }
0x12: {  	s13 =	sadd.s32 $0x2DF00, s13;
	s14 =	smax.u32 s15, $0x1;
	s15 =	sshrl.u32 s8, $0x3  }
.LBB2_7:
0x13: {  	[bflag:$0x0] =	sbarrier.arrive $0xFFFF;
	s24 =	simm.s32 @p0 $0x3  }
0x14: {  	[hbm:s13], [sflag:s10] =	dma.local @p0 [spmem:s23], $0x2E40  }
0x15: {  	_ =	swait.ge @p0 [sflag:s24], $0x2E40  }
0x16: {  	s3 =	sadd.s32 $0x1, s3;
	[sflag:s24] =	ssyncset.done @p0 $0x0  }
0x17: {  	p1 =	sne.s32 s3, s14;
	[sflag:s24] =	ssyncadd.s32 @p0 $0xFFFFD1C0;
	s24 =	sshrl.u32 @!p0 s8, $0x3  }
0x18: {  	[hbm:s12], [sflag:s10] =	dma.local @!p0 [spmem:s24], $0x3100  }
.Ltmp1:
0x19: {  	_ = 	snop;
	(pc) =	sbr.rel @!p1 .LBB2_8-.Ltmp1, $4  }
0x1a: {  	s24 =	simm.s32 @!p0 $0x3  }
0x1b: {  	_ =	swait.ge @!p0 [sflag:s24], $0x3100  }
0x1c: {  	[sflag:s24] =	ssyncset.done @!p0 $0x0  }
0x1d: {  	[sflag:s24] =	ssyncadd.s32 @!p0 $0xFFFFCF00  }
.LBB2_1:
0x1e: {  	[spmem:s15], [sflag:s10] =	dma.local [hbm:s9], $0x3100  }
.Ltmp2:
0x1f: {  	_ =	swait.ge [sflag:s16], $0x3100;
	(pc) =	sbr.rel .LBB2_2-.Ltmp2, $4  }
0x20: {  	[sflag:s16] =	ssyncset.done $0x0  }
0x21: {  	[sflag:s16] =	ssyncadd.s32 $0xFFFFCF00  }
0x22: {  	[bflag:$0x0] =	sbarrier.arrive $0xFFFF  }
0x23: {  	s24 =	simm.s32 $0x0  }
.LBB2_6:
0x24: {  	s24 =	sadd.s32 $0x1, s24  }
0x25: {  	p1 =	sne.s32 s24, $0x187  }
.Ltmp3:
0x26: {  	_ = 	snop;
	(pc) =	sbr.rel @!p1 .LBB2_7-.Ltmp3, $1  }
0x27: {  	_ =	sdelay $0x3  }
.LBB2_2:
0x28: {  	s25 =	sadd.s32 s11, s24  }
0x29: {  	p1 =	sgt.u32 s25, $0x1869  }
.Ltmp4:
0x2a: {  	_ = 	snop;
	(pc) =	sbr.rel @p1 .LBB2_6-.Ltmp4, $1  }
0x2b: {  	_ =	sdelay $0x3  }
0x2c: {  	s26 =	sshll.u32 s25, $0x4  }
0x2d: {  	s28 =	sadd.s32 s5, s26  }
0x2e: {  	[tilespmem:s29], [sflag:$0x4] =	stream.linear.gather [hbm4b:s28+s29], $0x80, $0x38;
	[tilespmem:$0x1C900] =	vst v63  }
0x2f: {  	_ =	swait.ge [sflag:s17], $0x80  }
0x30: {  	[sflag:s17] =	ssyncset.done $0x0  }
0x31: {  	s26 =	sadd.s32 s6, s26;
	[sflag:s17] =	ssyncadd.s32 $0xFFFFFF80  }
0x32: {  	[tilespmem:s18], [sflag:$0x4] =	stream.linear.gather [hbm4b:s26+s29], $0x80, $0x38;
	[tilespmem:$0x1C900] =	vst v63  }
0x33: {  	_ =	swait.ge [sflag:s17], $0x80  }
0x34: {  	[sflag:s17] =	ssyncset.done $0x0  }
0x35: {  	s31 =	sshll.u32 s25, $0xA;
	[sflag:s17] =	ssyncadd.s32 $0xFFFFFF80  }
0x36: {  	[tilespmem:s19], [sflag:$0x1] =	stream.indirect.gather [hbm4b:s4+s18], $0x40, s29, s18, $0xb8;
	[tilespmem:$0x1C900] =	vst v63  }
0x37: {  	s25 =	sadd.s32 s7, s31  }
0x38: {  	[tilespmem:s20], [sflag:$0x2] =	stream.linear.gather [hbm4b:s25+s29], $0x2000, $0x38;
	[tilespmem:$0x1C900] =	vst v63  }
0x39: {  	v1 =	vld [tilespmem:$0x80]  }
0x3a: {  	v2 =	vld [tilespmem:$0x90]  }
0x3b: {  	v3 =	vld [tilespmem:$0xA0]  }
0x3c: {  	v4 =	vld [tilespmem:$0xB0]  }
0x3d: {  	v5 =	vld [tilespmem:$0xC0]  }
0x3e: {  	v6 =	vld [tilespmem:$0xD0];
	v1 =	vsub.s32 v1, v0  }
0x3f: {  	v7 =	vld [tilespmem:$0xE0];
	v2 =	vsub.s32 v2, v0;
	v1 =	vmin.u32 v1, $0x61A8  }
0x40: {  	[tilespmem:$0x80] =	vst v1;
	v1 =	vmin.u32 v2, $0x61A8;
	v2 =	vsub.s32 v3, v0;
	v3 =	vld [tilespmem:$0xF0]  }
0x41: {  	[tilespmem:$0x90] =	vst v1;
	v1 =	vmin.u32 v2, $0x61A8;
	v2 =	vsub.s32 v4, v0  }
0x42: {  	[tilespmem:$0xA0] =	vst v1;
	v1 =	vmin.u32 v2, $0x61A8;
	v2 =	vsub.s32 v5, v0  }
0x43: {  	[tilespmem:$0xB0] =	vst v1;
	v1 =	vmin.u32 v2, $0x61A8;
	v2 =	vsub.s32 v6, v0  }
0x44: {  	[tilespmem:$0xC0] =	vst v1;
	v1 =	vmin.u32 v2, $0x61A8;
	v2 =	vsub.s32 v7, v0  }
0x45: {  	[tilespmem:$0xD0] =	vst v1;
	v1 =	vmin.u32 v2, $0x61A8;
	v2 =	vsub.s32 v3, v0  }
0x46: {  	[tilespmem:$0xE0] =	vst v1;
	v1 =	vmin.u32 v2, $0x61A8  }
0x47: {  	[tilespmem:$0xF0] =	vst v1  }
0x48: {  	_ =	swait.ge [sflag:s21], $0x2000  }
0x49: {  	[sflag:s21] =	ssyncset.done $0x0  }
0x4a: {  	[sflag:s21] =	ssyncadd.s32 $0xFFFFE000  }
0x4b: {  	_ =	swait.ge [sflag:s22], $0x2000  }
0x4c: {  	[sflag:s22] =	ssyncset.done $0x0  }
0x4d: {  	s25 =	simm.s32 $0x0;
	[sflag:s22] =	ssyncadd.s32 $0xFFFFE000  }
0x4e: {  	v3 =	vld [tilespmem:s25+$0x2100]  }
0x4f: {  	v4 =	vld [tilespmem:s25+$0x2110]  }
0x50: {  	v2 =	vld [tilespmem:s25+$0x2120]  }
0x51: {  	v1 =	vld [tilespmem:s25+$0x2130]  }
0x52: {  	v5 =	vld [tilespmem:s25+$0x100]  }
0x53: {  	v7 =	vld [tilespmem:s25+$0x110]  }
0x54: {  	s26 =	simm.s32 $0x100;
	v6 =	vld [tilespmem:s25+$0x120]  }
.LBB2_4:
0x55: {  	p1 =	sne.s32 s26, $0x7F00;
	v8 =	vld [tilespmem:s25+$0x130]  }
0x56: {  	s28 =	sshra.s32 s26, $0x2  }
0x57: {  	v5 =	vadd.f32 v3, v5;
	v3 =	vld [tilespmem:s28+$0x2100]  }
0x58: {  	v7 =	vadd.f32 v4, v7;
	v4 =	vld [tilespmem:s28+$0x2110]  }
.Ltmp5:
0x59: {  	v5 =	vmax.f32 v5, $0.0e+00;
	v6 =	vadd.f32 v2, v6;
	v2 =	vld [tilespmem:s28+$0x2120];
	(pc) =	sbr.rel @p1 .LBB2_4-.Ltmp5, $4  }
0x5a: {  	[tilespmem:s25+$0x100] =	vst v5;
	v7 =	vmax.f32 v7, $0.0e+00;
	v8 =	vadd.f32 v1, v8;
	v1 =	vld [tilespmem:s28+$0x2130]  }
0x5b: {  	v5 =	vld [tilespmem:s28+$0x100];
	[tilespmem:s25+$0x110] =	vst v7;
	v6 =	vmax.f32 v6, $0.0e+00  }
0x5c: {  	v7 =	vld [tilespmem:s28+$0x110];
	[tilespmem:s25+$0x120] =	vst v6;
	v8 =	vmax.f32 v8, $0.0e+00  }
0x5d: {  	s26 =	sadd.s32 $0x100, s26;
	v6 =	vld [tilespmem:s28+$0x120];
	[tilespmem:s25+$0x130] =	vst v8;
	s25 =	smov.u32 s28  }
0x5e: {  	v8 =	vld [tilespmem:s25+$0x130];
	_ =	sdelay $0x1  }
0x5f: {  	v3 =	vadd.f32 v3, v5  }
0x60: {  	v4 =	vadd.f32 v4, v7  }
0x61: {  	v3 =	vmax.f32 v3, $0.0e+00;
	v2 =	vadd.f32 v2, v6  }
0x62: {  	[tilespmem:s25+$0x100] =	vst v3;
	v3 =	vmax.f32 v4, $0.0e+00;
	v1 =	vadd.f32 v1, v8  }
0x63: {  	[tilespmem:s25+$0x110] =	vst v3;
	v2 =	vmax.f32 v2, $0.0e+00  }
0x64: {  	[tilespmem:s25+$0x120] =	vst v2;
	v1 =	vmax.f32 v1, $0.0e+00  }
.Ltmp6:
0x65: {  	[tilespmem:s25+$0x130] =	vst v1;
	(pc) =	sbr.rel .LBB2_6-.Ltmp6, $4  }
0x66: {  	[spmem:s1] =	stream.indirect.scatter.add.f32 [tilespmem:s19], [sflag:$0x3], $0x40, s18, s18, $0xb8;
	[tilespmem:$0x1C900] =	vst v63  }
0x67: {  	_ =	swait.ge [sflag:s16], $0x2000  }
0x68: {  	[sflag:s16] =	ssyncset.done $0x0  }
0x69: {  	[sflag:s16] =	ssyncadd.s32 $0xFFFFE000  }
.LBB2_8:
0x6a: {  	_ =	sfence.sel $0x180000  }
0x6b: {  	[bflag:$0x0] =	sbarrier.arrive $0xFFFF  }
0x6c: {  	p0 =	sne.s32 s2, $0x0;
	_ =	strace $0x9000004A  }
0x6d: {  	s0 =	sadd.s32 @!p0 $0x100000, s0;
	[bflag:$0x2] =	sbarrier.arrive $0xFFFF  }
0x6e: {  	[sflag:s0] =	ssyncadd.tile.s32 @!p0 $0x1;
	_ =	shalt  }
.Lfunc_end2:
_tile_overlayer_lowered:
.L_overlay_start_2:
0x6f: {  	(tag) =	ssettag $0x2  }
0x70: {  	s0 =	rddreg [dreg:$0x0];
	s2 =	stileid.u32  }
0x71: {  	s1 =	rddreg [dreg:$0x1];
	p0 =	sne.s32 s2, $0x0  }
0x72: {  	s3 =	rddreg [dreg:$0x2];
	[bflag:$0x3] =	sbarrier.arrive $0xFFFF;
	s2 =	simm.s32 @!p0 $0x1C03  }
0x73: {  	[timem:s3], [sflag:s2] =	dma.local @!p0 [hbm:s0], s1  }
0x74: {  	s0 =	simm.s32 @!p0 $0x3  }
0x75: {  	_ =	swait.ge @!p0 [sflag:s0], s1  }
0x76: {  	s1 =	ssub.s32 @!p0 $0x0, s1;
	[sflag:s0] =	ssyncset.done @!p0 $0x0  }
0x77: {  	[sflag:s0] =	ssyncadd.s32 @!p0 s1  }
0x78: {  	[bflag:$0x3] =	sbarrier.arrive $0xFFFF  }
0x79: {  	_ =	shalt  }

// kernel: kernel.18.cloned.1.call-start
scs
__scs_entry_jumppad:
0x0: {  	(pc) =	sbr.rel $0x88, $3  }
0x1: {  	(tag) =	ssettag $0x0;
	lr =	simm.s32 $0x1  }
0x2: {  	[smem:$0x3F8F] =	sst lr;
	_ =	strace $0xD0000000  }
0x3: {  	_ = 	snop  }
0x4: {  	_ = 	snop  }
0x5: {  	_ = 	snop  }
0x6: {  	_ = 	snop  }
0x7: {  	_ = 	snop  }
__scs_overlays_trampoline_lowered:
0x8: {  	[smem:$0x3F9E] =	sst s0  }
0x9: {  	[smem:$0x3F9F] =	sst s1  }
0xa: {  	[smem:$0x3FA0] =	sst s2  }
0xb: {  	[smem:$0x3FA1] =	sst s3  }
0xc: {  	[smem:$0x3FA2] =	sst s4  }
0xd: {  	[smem:$0x3FA3] =	sst s5  }
0xe: {  	[smem:$0x3FA4] =	sst s6  }
0xf: {  	[smem:$0x3FA5] =	sst s7  }
0x10: {  	[smem:$0x3FA6] =	sst s8  }
0x11: {  	[smem:$0x3FA7] =	sst s9;
	s0 =	simm.s32 @!p0 $0x0  }
0x12: {  	s1 =	sld [smem:$0x3F8D];
	s0 =	simm.s32 @p0 $0x1  }
0x13: {  	[smem:$0x3FA8] =	sst s0;
	s0 =	simm.s32 @!p1 $0x0  }
0x14: {  	s2 =	sld [smem:$0x3F8C];
	s0 =	simm.s32 @p1 $0x1  }
0x15: {  	[smem:$0x3FA9] =	sst s0;
	s0 =	simm.s32 @!p2 $0x0  }
0x16: {  	s3 =	sld [smem:$0x3FDB];
	s0 =	simm.s32 @p2 $0x1  }
0x17: {  	s4 =	simm.s32 $0x1BF5;
	[smem:$0x3FAB] =	sst s0  }
0x18: {  	s0 =	sld [smem:$0x3F8E];
	_ =	swait.ge [sflag:s4], $0x0  }
0x19: {  	s7 =	sld [smem:$0x3F8F]  }
0x1a: {  	s8 =	sadd.s32 $0xFFFFE003, lr  }
0x1b: {  	s9 =	sadd.s32 $0xFFFFFEF7, lr;
	s5 =	simm.s32 $0xFFFFFFFF;
	p2 =	slt.u32 s8, $0xFFFFF086  }
0x1c: {  	p1 =	slt.u32 s9, $0xF7A;
	s5 =	simm.s32 @!p2 $0x0  }
0x1d: {  	s5 =	simm.s32 @p1 $0x1;
	p0 =	seq.s32 s7, s2  }
0x1e: {  	s7 =	smul.u32 @!p0 $0xF7A, s2;
	p2 =	seq.s32 @!p0 s5, $0x0  }
0x1f: {  	s9 =	smul.u32 $0xF7A, s1;
	s8 =	simm.s32 @!p0 $0x1BF5;
	p2 =	por !p2, p0  }
0x20: {  	[sflag:s8] =	ssyncset.s32 @!p0 $0xFFFFF086;
	s6 =	sadd.s32 @!p0 s3, s7;
	s7 =	simm.s32 @!p0 $0x108  }
0x21: {  	s3 =	sadd.s32 s3, s9;
	s6 =	sadd.s32 @!p0 $0x88, s6;
	s7 =	simm.s32 @p2 $0x1082  }
0x22: {  	[simem:s7], [sflag:s8] =	dma.local @!p0 [hbm:s6], $0xF7A  }
0x23: {  	s9 =	sor.u32 $0xD0000000, s2;
	s6 =	simm.s32 $0x108;
	_ =	swait.ge @!p0 [sflag:s8], $0x0  }
0x24: {  	s3 =	sadd.s32 $0x88, s3;
	s6 =	simm.s32 @!p1 $0x1082;
	[sflag:s4] =	ssyncset.s32 $0xFFFFF086  }
0x25: {  	[simem:s6], [sflag:s4] =	dma.local [hbm:s3], $0xF7A  }
0x26: {  	[smem:$0x3F8F] =	sst s1;
	(tag) =	ssettag s2;
	_ =	strace s9  }
0x27: {  	s1 =	sld [smem:$0x3F9F]  }
0x28: {  	s2 =	sld [smem:$0x3FA0]  }
0x29: {  	s4 =	sld [smem:$0x3FA2]  }
0x2a: {  	p0 =	seq.s32 s5, $0x0;
	s5 =	sld [smem:$0x3FA3]  }
0x2b: {  	s6 =	sld [smem:$0x3FA4]  }
0x2c: {  	s7 =	sld [smem:$0x3FA5]  }
0x2d: {  	s3 =	simm.s32 $0x108;
	s8 =	sld [smem:$0x3FA6]  }
0x2e: {  	s3 =	simm.s32 @!p0 $0x1082;
	s9 =	sld [smem:$0x3FA7]  }
0x2f: {  	lr =	sadd.s32 s0, s3;
	s0 =	sld [smem:$0x3F9E]  }
0x30: {  	s3 =	sld [smem:$0x3FA1]  }
0x31: {  	[smem:$0x3FAA] =	sst s10  }
0x32: {  	s10 =	sld [smem:$0x3FA8];
	_ =	sdelay $0x3  }
0x33: {  	p0 =	seq.s32 s10, $0x1;
	s10 =	sld [smem:$0x3FAA];
	_ =	sdelay $0x3  }
0x34: {  	[smem:$0x3FAA] =	sst s10  }
0x35: {  	s10 =	sld [smem:$0x3FA9];
	_ =	sdelay $0x3  }
0x36: {  	p1 =	seq.s32 s10, $0x1;
	s10 =	sld [smem:$0x3FAA];
	_ =	sdelay $0x3  }
0x37: {  	[smem:$0x3FAA] =	sst s10  }
0x38: {  	s10 =	sld [smem:$0x3FAB]  }
0x39: {  	_ = 	snop;
	(pc) =	sbr.ind lr, $3  }
0x3a: {  	_ = 	snop  }
0x3b: {  	_ = 	snop  }
0x3c: {  	p2 =	seq.s32 s10, $0x1;
	s10 =	sld [smem:$0x3FAA]  }
0x3d: {  	_ =	shalt  }
0x3e: {  	_ =	shalt  }
0x3f: {  	_ =	shalt  }
0x40: {  	_ =	shalt  }
0x41: {  	_ =	shalt  }
0x42: {  	_ =	shalt  }
0x43: {  	_ =	shalt  }
0x44: {  	_ =	shalt  }
0x45: {  	_ =	shalt  }
0x46: {  	_ =	shalt  }
0x47: {  	_ =	shalt  }
0x48: {  	_ =	shalt  }
0x49: {  	_ =	shalt  }
0x4a: {  	_ =	shalt  }
0x4b: {  	_ =	shalt  }
0x4c: {  	_ =	shalt  }
0x4d: {  	_ =	shalt  }
0x4e: {  	_ =	shalt  }
0x4f: {  	_ =	shalt  }
0x50: {  	_ =	shalt  }
0x51: {  	_ =	shalt  }
0x52: {  	_ =	shalt  }
0x53: {  	_ =	shalt  }
0x54: {  	_ =	shalt  }
0x55: {  	_ =	shalt  }
0x56: {  	_ =	shalt  }
0x57: {  	_ =	shalt  }
0x58: {  	_ =	shalt  }
0x59: {  	_ =	shalt  }
0x5a: {  	_ =	shalt  }
0x5b: {  	_ =	shalt  }
0x5c: {  	_ =	shalt  }
0x5d: {  	_ =	shalt  }
0x5e: {  	_ =	shalt  }
0x5f: {  	_ =	shalt  }
0x60: {  	_ =	shalt  }
0x61: {  	_ =	shalt  }
0x62: {  	_ =	shalt  }
0x63: {  	_ =	shalt  }
0x64: {  	_ =	shalt  }
0x65: {  	_ =	shalt  }
0x66: {  	_ =	shalt  }
0x67: {  	_ =	shalt  }
0x68: {  	_ =	shalt  }
0x69: {  	_ =	shalt  }
0x6a: {  	_ =	shalt  }
0x6b: {  	_ =	shalt  }
0x6c: {  	_ =	shalt  }
0x6d: {  	_ =	shalt  }
0x6e: {  	_ =	shalt  }
0x6f: {  	_ =	shalt  }
0x70: {  	_ =	shalt  }
0x71: {  	_ =	shalt  }
0x72: {  	_ =	shalt  }
0x73: {  	_ =	shalt  }
0x74: {  	_ =	shalt  }
0x75: {  	_ =	shalt  }
0x76: {  	_ =	shalt  }
0x77: {  	_ =	shalt  }
0x78: {  	_ =	shalt  }
0x79: {  	_ =	shalt  }
0x7a: {  	_ =	shalt  }
0x7b: {  	_ =	shalt  }
0x7c: {  	_ =	shalt  }
0x7d: {  	_ =	shalt  }
0x7e: {  	_ =	shalt  }
0x7f: {  	_ =	shalt  }
0x80: {  	_ =	shalt  }
0x81: {  	_ =	shalt  }
0x82: {  	_ =	shalt  }
0x83: {  	_ =	shalt  }
0x84: {  	_ =	shalt  }
0x85: {  	_ =	shalt  }
0x86: {  	_ =	shalt  }
0x87: {  	_ =	shalt  }
.Lfunc_end0:
.L_simem_size_0:
called_computation.2_lowered:
.L_overlay_start_0:
0x88: {  	s2 =	sld [smem:$0x3FD9]  }
0x89: {  	s3 =	sld [smem:$0x3FFE];
	_ =	sdelay $0x1  }
0x8a: {  	s1 =	srdreg.scid  }
0x8b: {  	s0 =	sand.u32 $0x1, s1  }
0x8c: {  	s16 =	sshll.u32 s0, $0xA;
	s2 =	sadd.s32 s3, s2  }
0x8d: {  	s2 =	sadd.s32 s2, s16  }
0x8e: {  	[smem:$0x3FB6] =	sst s2  }
0x8f: {  	_ = 	snop  }
0x90: {  	(tm) =	ssettm $0x1  }
0x91: {  	s17 =	sld [smem:$0x3FFB];
	_ =	sdelay $0x3  }
0x92: {  	_ =	strace s17  }
0x93: {  	s2 =	sld [smem:$0x3FFC];
	_ =	sdelay $0x3  }
0x94: {  	_ =	strace s2  }
0x95: {  	s2 =	sld [smem:$0x3FFD];
	_ =	sdelay $0x3  }
0x96: {  	_ =	strace s2  }
0x97: {  	_ =	strace $0x8FFFFFFF  }
0x98: {  	s18 =	sld [smem:$0x3FDB];
	_ =	sdelay $0x1  }
0x99: {  	s19 =	simm.s32 $_scs_section_size  }
0x9a: {  	s4 =	simm.s32 $_size__tile_overlayer_lowered;
	s5 =	simm.s32 $_tile_overlayer_lowered  }
0x9b: {  	s22 =	simm.s32 $0x1BFF;
	s21 =	sshll.u32 s5, $0x1;
	s2 =	sadd.s32 s19, s18  }
0x9c: {  	s6 =	simm.s32 $0x0;
	s20 =	sshll.u32 s4, $0x1;
	s4 =	sadd.s32 s21, s2  }
0x9d: {  	[timem:s6], [sflag:s22] =	dma.local [hbm:s4], s20  }
0x9e: {  	_ =	swait.ge [sflag:s22], s20  }
0x9f: {  	s3 =	ssub.s32 $0x0, s20;
	[sflag:s22] =	ssyncset.done $0x0  }
0xa0: {  	[sflag:s22] =	ssyncadd.s32 s3;
	_ =	sdelay $0x1  }
0xa1: {  	s23 =	simm.s32 $0x1B8B  }
0xa2: {  	_ =	swait.ge [sflag:s23], $0x1  }
0xa3: {  	[sflag:s23] =	ssyncset.done $0x0  }
0xa4: {  	s25 =	simm.s32 $0x1B8E;
	s24 =	sld [smem:$0x3FFE];
	[sflag:s23] =	ssyncadd.s32 $0xFFFFFFFF  }
0xa5: {  	s26 =	simm.s32 $execute0_lowered;
	[smem:$0x3FD2] =	sst s25  }
0xa6: {  	s4 =	sshll.u32 s26, $0x1;
	_ =	strace $0x8000004C;
	[dreg:$0x1] =	wrdreg $0xFFFFFFFF  }
0xa7: {  	s28 =	simm.s32 $_size_execute0_lowered;
	s2 =	sadd.s32 s2, s4;
	[dreg:$0x0] =	wrdreg $0x0  }
0xa8: {  	s4 =	sshll.u32 s28, $0x1;
	[dreg:$0x2] =	wrdreg s2  }
0xa9: {  	[dreg:$0x3] =	wrdreg s4  }
0xaa: {  	[dreg:$0x4] =	wrdreg $0xC0  }
0xab: {  	_ =	task [dreg:s6], $0x5FFFF  }
0xac: {  	[dreg:$0x1] =	wrdreg $0xFFFFFFFF  }
0xad: {  	[dreg:$0x0] =	wrdreg $0x60  }
0xae: {  	[dreg:$0x2] =	wrdreg s24  }
0xaf: {  	[dreg:$0x3] =	wrdreg $0x41000  }
0xb0: {  	[dreg:$0x4] =	wrdreg $0x9  }
0xb1: {  	_ =	task.clear_ibuf [dreg:s6], $0x5FFFF;
	_ =	strace $0x9000004C  }
0xb2: {  	s29 =	simm.s32 $0x9;
	_ =	strace $0x8000004E  }
0xb3: {  	_ =	swait.ge [sflag:s29], $0x1  }
0xb4: {  	[sflag:s29] =	ssyncadd.s32 $0xFFFFFFFF  }
0xb5: {  	_ =	strace $0x9000004E  }
0xb6: {  	_ =	sfence  }
0xb7: {  	s30 =	sld [smem:$0x0];
	_ =	sdelay $0x2  }
0xb8: {  	s31 =	sshll.u32 s1, $0xD;
	s1 =	sshrl.u32 s1, $0x2  }
0xb9: {  	s3 =	sand.u32 $0x4000, s31;
	s1 =	sadd.s32 s1, s30  }
0xba: {  	s0 =	sor.u32 s3, s0;
	s1 =	sshll.u32 s1, $0x11  }
0xbb: {  	s0 =	sor.u32 s1, s0  }
0xbc: {  	s0 =	sadd.s32 $0x8F2B, s0  }
0xbd: {  	[sflag:s0] =	ssyncadd.remote.s32 $0x1  }
0xbe: {  	_ =	sfence.sel $0xFFFF  }
0xbf: {  	[dreg:$0x0] =	wrdreg $0xFFFFFFFF;
	(pc) =	sbr.abs _section_cstart, $3  }
0xc0: {  	[dreg:$0x1] =	wrdreg $0xFFFFFFFF  }
0xc1: {  	_ =	task.clear_ibuf [dreg:s6], $0x2FFFF;
	_ =	strace $0x9FFFFFFF  }
0xc2: {  	(tm) =	ssettm $0x7FFFFFFF  }
0xc3: {  	_ =	shalt  }
tec
execute0_lowered:
.L_overlay_start_1:
0x0: {  	(tag) =	ssettag $0x1  }
0x1: {  	s8 =	rddreg [dreg:$0x0]  }
0x2: {  	s1 =	rddreg [dreg:$0x1]  }
0x3: {  	s0 =	rddreg [dreg:$0x2]  }
0x4: {  	s3 =	simm.s32 $0x0;
	s2 =	stileid.u32;
	s7 =	srdreg.scid  }
0x5: {  	s16 =	simm.s32 $0x3;
	s17 =	simm.s32 $0x4;
	s18 =	simm.s32 $0x80  }
0x6: {  	s19 =	simm.s32 $0x100;
	s20 =	simm.s32 $0x2100;
	s22 =	simm.s32 $0x2  }
0x7: {  	s29 =	simm.s32 $0x0;
	[smem:$0x7FF] =	sst s3;
	s4 =	sadd.s32 $0xDBDE00, s8  }
0x8: {  	s9 =	smul.u32 $0x18800, s2;
	s5 =	sadd.s32 $0x1A400, s8;
	s6 =	sadd.s32 $0x1C00, s8  }
0x9: {  	s10 =	sand.u32 $0x1, s7;
	s7 =	sadd.s32 $0x32C00, s8;
	s13 =	smul.u32 $0x620, s2  }
0xa: {  	s14 =	sadd.s32 $0x64D400, s8;
	s28 =	sshll.u32 s2, $0x6;
	s23 =	sadd.s32 $0x16F800, s1  }
0xb: {  	p0 =	seq.s32 s2, $0xF;
	_ =	strace $0x8000004D;
	s21 =	smul.u32 $0x61A8, s10  }
0xc: {  	s12 =	ssub.s32 $0x2, s10;
	s10 =	smul.u32 $0x186A00, s10;
	s11 =	sshrl.u32 s9, $0x3  }
0xd: {  	s23 =	sshrl.u32 @p0 s23, $0x3;
	s26 =	sshrl.u32 s12, $0x1;
	s11 =	sadd.s32 s11, s8  }
.Ltmp0:
0xe: {  	s15 =	ssub.s32 s12, s26;
	s8 =	sadd.s32 s9, s1;
	(pc) =	sbr.rel .LBB2_1-.Ltmp0, $4  }
0xf: {  	s30 =	sadd.s32 s13, s21;
	s31 =	sshrl.u32 s10, $0x3;
	s10 =	sor.u32 $0x1C03, s28  }
0x10: {  	v0 =	vmov s21;
	s21 =	simm.s32 $0x1;
	s9 =	sadd.s32 $0xD8CE00, s11;
	s12 =	sshll.u32 s30, $0x3  }
0x11: {  	s13 =	sadd.s32 s14, s31;
	s11 =	smul.u32 $0x187, s2;
	s12 =	sadd.s32 s14, s12  }
0x12: {  	s13 =	sadd.s32 $0x2DF00, s13;
	s14 =	smax.u32 s15, $0x1;
	s15 =	sshrl.u32 s8, $0x3  }
.LBB2_7:
0x13: {  	[bflag:$0x0] =	sbarrier.arrive $0xFFFF;
	s24 =	simm.s32 @p0 $0x3  }
0x14: {  	[hbm:s13], [sflag:s10] =	dma.local @p0 [spmem:s23], $0x2E40  }
0x15: {  	_ =	swait.ge @p0 [sflag:s24], $0x2E40  }
0x16: {  	s3 =	sadd.s32 $0x1, s3;
	[sflag:s24] =	ssyncset.done @p0 $0x0  }
0x17: {  	p1 =	sne.s32 s3, s14;
	[sflag:s24] =	ssyncadd.s32 @p0 $0xFFFFD1C0;
	s24 =	sshrl.u32 @!p0 s8, $0x3  }
0x18: {  	[hbm:s12], [sflag:s10] =	dma.local @!p0 [spmem:s24], $0x3100  }
.Ltmp1:
0x19: {  	_ = 	snop;
	(pc) =	sbr.rel @!p1 .LBB2_8-.Ltmp1, $4  }
0x1a: {  	s24 =	simm.s32 @!p0 $0x3  }
0x1b: {  	_ =	swait.ge @!p0 [sflag:s24], $0x3100  }
0x1c: {  	[sflag:s24] =	ssyncset.done @!p0 $0x0  }
0x1d: {  	[sflag:s24] =	ssyncadd.s32 @!p0 $0xFFFFCF00  }
.LBB2_1:
0x1e: {  	[spmem:s15], [sflag:s10] =	dma.local [hbm:s9], $0x3100  }
.Ltmp2:
0x1f: {  	_ =	swait.ge [sflag:s16], $0x3100;
	(pc) =	sbr.rel .LBB2_2-.Ltmp2, $4  }
0x20: {  	[sflag:s16] =	ssyncset.done $0x0  }
0x21: {  	[sflag:s16] =	ssyncadd.s32 $0xFFFFCF00  }
0x22: {  	[bflag:$0x0] =	sbarrier.arrive $0xFFFF  }
0x23: {  	s24 =	simm.s32 $0x0  }
.LBB2_6:
0x24: {  	s24 =	sadd.s32 $0x1, s24  }
0x25: {  	p1 =	sne.s32 s24, $0x187  }
.Ltmp3:
0x26: {  	_ = 	snop;
	(pc) =	sbr.rel @!p1 .LBB2_7-.Ltmp3, $1  }
0x27: {  	_ =	sdelay $0x3  }
.LBB2_2:
0x28: {  	s25 =	sadd.s32 s11, s24  }
0x29: {  	p1 =	sgt.u32 s25, $0x1869  }
.Ltmp4:
0x2a: {  	_ = 	snop;
	(pc) =	sbr.rel @p1 .LBB2_6-.Ltmp4, $1  }
0x2b: {  	_ =	sdelay $0x3  }
0x2c: {  	s26 =	sshll.u32 s25, $0x4  }
0x2d: {  	s28 =	sadd.s32 s5, s26  }
0x2e: {  	[tilespmem:s29], [sflag:$0x4] =	stream.linear.gather [hbm4b:s28+s29], $0x80, $0x38;
	[tilespmem:$0x1C900] =	vst v63  }
0x2f: {  	_ =	swait.ge [sflag:s17], $0x80  }
0x30: {  	[sflag:s17] =	ssyncset.done $0x0  }
0x31: {  	s26 =	sadd.s32 s6, s26;
	[sflag:s17] =	ssyncadd.s32 $0xFFFFFF80  }
0x32: {  	[tilespmem:s18], [sflag:$0x4] =	stream.linear.gather [hbm4b:s26+s29], $0x80, $0x38;
	[tilespmem:$0x1C900] =	vst v63  }
0x33: {  	_ =	swait.ge [sflag:s17], $0x80  }
0x34: {  	[sflag:s17] =	ssyncset.done $0x0  }
0x35: {  	s31 =	sshll.u32 s25, $0xA;
	[sflag:s17] =	ssyncadd.s32 $0xFFFFFF80  }
0x36: {  	[tilespmem:s19], [sflag:$0x1] =	stream.indirect.gather [hbm4b:s4+s18], $0x40, s29, s18, $0xb8;
	[tilespmem:$0x1C900] =	vst v63  }
0x37: {  	s25 =	sadd.s32 s7, s31  }
0x38: {  	[tilespmem:s20], [sflag:$0x2] =	stream.linear.gather [hbm4b:s25+s29], $0x2000, $0x38;
	[tilespmem:$0x1C900] =	vst v63  }
0x39: {  	v1 =	vld [tilespmem:$0x80]  }
0x3a: {  	v2 =	vld [tilespmem:$0x90]  }
0x3b: {  	v3 =	vld [tilespmem:$0xA0]  }
0x3c: {  	v4 =	vld [tilespmem:$0xB0]  }
0x3d: {  	v5 =	vld [tilespmem:$0xC0]  }
0x3e: {  	v6 =	vld [tilespmem:$0xD0];
	v1 =	vsub.s32 v1, v0  }
0x3f: {  	v7 =	vld [tilespmem:$0xE0];
	v2 =	vsub.s32 v2, v0;
	v1 =	vmin.u32 v1, $0x61A8  }
0x40: {  	[tilespmem:$0x80] =	vst v1;
	v1 =	vmin.u32 v2, $0x61A8;
	v2 =	vsub.s32 v3, v0;
	v3 =	vld [tilespmem:$0xF0]  }
0x41: {  	[tilespmem:$0x90] =	vst v1;
	v1 =	vmin.u32 v2, $0x61A8;
	v2 =	vsub.s32 v4, v0  }
0x42: {  	[tilespmem:$0xA0] =	vst v1;
	v1 =	vmin.u32 v2, $0x61A8;
	v2 =	vsub.s32 v5, v0  }
0x43: {  	[tilespmem:$0xB0] =	vst v1;
	v1 =	vmin.u32 v2, $0x61A8;
	v2 =	vsub.s32 v6, v0  }
0x44: {  	[tilespmem:$0xC0] =	vst v1;
	v1 =	vmin.u32 v2, $0x61A8;
	v2 =	vsub.s32 v7, v0  }
0x45: {  	[tilespmem:$0xD0] =	vst v1;
	v1 =	vmin.u32 v2, $0x61A8;
	v2 =	vsub.s32 v3, v0  }
0x46: {  	[tilespmem:$0xE0] =	vst v1;
	v1 =	vmin.u32 v2, $0x61A8  }
0x47: {  	[tilespmem:$0xF0] =	vst v1  }
0x48: {  	_ =	swait.ge [sflag:s21], $0x2000  }
0x49: {  	[sflag:s21] =	ssyncset.done $0x0  }
0x4a: {  	[sflag:s21] =	ssyncadd.s32 $0xFFFFE000  }
0x4b: {  	_ =	swait.ge [sflag:s22], $0x2000  }
0x4c: {  	[sflag:s22] =	ssyncset.done $0x0  }
0x4d: {  	s25 =	simm.s32 $0x0;
	[sflag:s22] =	ssyncadd.s32 $0xFFFFE000  }
0x4e: {  	v3 =	vld [tilespmem:s25+$0x2100]  }
0x4f: {  	v4 =	vld [tilespmem:s25+$0x2110]  }
0x50: {  	v2 =	vld [tilespmem:s25+$0x2120]  }
0x51: {  	v1 =	vld [tilespmem:s25+$0x2130]  }
0x52: {  	v5 =	vld [tilespmem:s25+$0x100]  }
0x53: {  	v7 =	vld [tilespmem:s25+$0x110]  }
0x54: {  	s26 =	simm.s32 $0x100;
	v6 =	vld [tilespmem:s25+$0x120]  }
.LBB2_4:
0x55: {  	p1 =	sne.s32 s26, $0x7F00;
	v8 =	vld [tilespmem:s25+$0x130]  }
0x56: {  	s28 =	sshra.s32 s26, $0x2  }
0x57: {  	v5 =	vadd.f32 v3, v5;
	v3 =	vld [tilespmem:s28+$0x2100]  }
0x58: {  	v7 =	vadd.f32 v4, v7;
	v4 =	vld [tilespmem:s28+$0x2110]  }
.Ltmp5:
0x59: {  	v5 =	vmax.f32 v5, $0.0e+00;
	v6 =	vadd.f32 v2, v6;
	v2 =	vld [tilespmem:s28+$0x2120];
	(pc) =	sbr.rel @p1 .LBB2_4-.Ltmp5, $4  }
0x5a: {  	[tilespmem:s25+$0x100] =	vst v5;
	v7 =	vmax.f32 v7, $0.0e+00;
	v8 =	vadd.f32 v1, v8;
	v1 =	vld [tilespmem:s28+$0x2130]  }
0x5b: {  	v5 =	vld [tilespmem:s28+$0x100];
	[tilespmem:s25+$0x110] =	vst v7;
	v6 =	vmax.f32 v6, $0.0e+00  }
0x5c: {  	v7 =	vld [tilespmem:s28+$0x110];
	[tilespmem:s25+$0x120] =	vst v6;
	v8 =	vmax.f32 v8, $0.0e+00  }
0x5d: {  	s26 =	sadd.s32 $0x100, s26;
	v6 =	vld [tilespmem:s28+$0x120];
	[tilespmem:s25+$0x130] =	vst v8;
	s25 =	smov.u32 s28  }
0x5e: {  	v8 =	vld [tilespmem:s25+$0x130];
	_ =	sdelay $0x1  }
0x5f: {  	v3 =	vadd.f32 v3, v5  }
0x60: {  	v4 =	vadd.f32 v4, v7  }
0x61: {  	v3 =	vmax.f32 v3, $0.0e+00;
	v2 =	vadd.f32 v2, v6  }
0x62: {  	[tilespmem:s25+$0x100] =	vst v3;
	v3 =	vmax.f32 v4, $0.0e+00;
	v1 =	vadd.f32 v1, v8  }
0x63: {  	[tilespmem:s25+$0x110] =	vst v3;
	v2 =	vmax.f32 v2, $0.0e+00  }
0x64: {  	[tilespmem:s25+$0x120] =	vst v2;
	v1 =	vmax.f32 v1, $0.0e+00  }
.Ltmp6:
0x65: {  	[tilespmem:s25+$0x130] =	vst v1;
	(pc) =	sbr.rel .LBB2_6-.Ltmp6, $4  }
0x66: {  	[spmem:s1] =	stream.indirect.scatter.add.f32 [tilespmem:s19], [sflag:$0x3], $0x40, s18, s18, $0xb8;
	[tilespmem:$0x1C900] =	vst v63  }
0x67: {  	_ =	swait.ge [sflag:s16], $0x2000  }
0x68: {  	[sflag:s16] =	ssyncset.done $0x0  }
0x69: {  	[sflag:s16] =	ssyncadd.s32 $0xFFFFE000  }
.LBB2_8:
0x6a: {  	_ =	sfence.sel $0x180000  }
0x6b: {  	[bflag:$0x0] =	sbarrier.arrive $0xFFFF  }
0x6c: {  	p0 =	sne.s32 s2, $0x0;
	_ =	strace $0x9000004D  }
0x6d: {  	s0 =	sadd.s32 @!p0 $0x100000, s0;
	[bflag:$0x2] =	sbarrier.arrive $0xFFFF  }
0x6e: {  	[sflag:s0] =	ssyncadd.tile.s32 @!p0 $0x1;
	_ =	shalt  }
.Lfunc_end2:
_tile_overlayer_lowered:
.L_overlay_start_2:
0x6f: {  	(tag) =	ssettag $0x2  }
0x70: {  	s0 =	rddreg [dreg:$0x0];
	s2 =	stileid.u32  }
0x71: {  	s1 =	rddreg [dreg:$0x1];
	p0 =	sne.s32 s2, $0x0  }
0x72: {  	s3 =	rddreg [dreg:$0x2];
	[bflag:$0x3] =	sbarrier.arrive $0xFFFF;
	s2 =	simm.s32 @!p0 $0x1C03  }
0x73: {  	[timem:s3], [sflag:s2] =	dma.local @!p0 [hbm:s0], s1  }
0x74: {  	s0 =	simm.s32 @!p0 $0x3  }
0x75: {  	_ =	swait.ge @!p0 [sflag:s0], s1  }
0x76: {  	s1 =	ssub.s32 @!p0 $0x0, s1;
	[sflag:s0] =	ssyncset.done @!p0 $0x0  }
0x77: {  	[sflag:s0] =	ssyncadd.s32 @!p0 s1  }
0x78: {  	[bflag:$0x3] =	sbarrier.arrive $0xFFFF  }
0x79: {  	_ =	shalt  }

</sc_bundles>
